<compile_context>
chip_gen: v7x
topology: tpu7x:2x2x1
jax: 0.10.2.dev20260603
libtpu: 0.0.44.dev20260713+nightly
codegen_flags: <defaults>
</compile_context>

<pallas_src>
import functools

import jax
import jax.numpy as jnp
from jax import lax
from jax.experimental import pallas as pl
from jax.experimental.pallas import tpu as pltpu
from jax.experimental.pallas import tpu_sc as plsc

N_R = 65536
N_B = 128
N_S = 128
L = 16
N_WORKERS = 32
NBP = N_B + 1
C = 2
CL = C * L
G = 4
SZ = G * CL * NBP
NSUP = N_R // N_WORKERS // (G * CL)


def _sc_body(bins_hbm, w_hbm, out_hbm,
             bins0_v, w0_v, out0_v, bins1_v, w1_v, out1_v,
             a_v, b_v, semi0, semi1, semo0, semo1):
    cid = lax.axis_index("c")
    sid = lax.axis_index("s")
    wid = sid * 2 + cid
    rays_per_w = N_R // N_WORKERS

    lane = lax.broadcasted_iota(jnp.int32, (L,), 0)
    laneP = [lane * NBP + k * (L * NBP) for k in range(C)]
    klane = [jnp.full((L,), k * L, jnp.int32) + lane for k in range(C)]
    zero16 = jnp.zeros((L,), jnp.float32)
    one16i = jnp.ones((L,), jnp.int32)
    MAGIC = 12582912.0

    def rbase(s):
        return (wid * rays_per_w + s * (G * CL)) * NBP

    def issue_in(s, bins_v, w_v, sem):
        pltpu.async_copy(bins_hbm.at[pl.ds(rbase(s), SZ)], bins_v, sem)
        pltpu.async_copy(w_hbm.at[pl.ds(rbase(s), SZ)], w_v, sem)

    def wait_in(bins_v, w_v, sem):
        pltpu.make_async_copy(bins_hbm.at[pl.ds(0, SZ)], bins_v, sem).wait()
        pltpu.make_async_copy(w_hbm.at[pl.ds(0, SZ)], w_v, sem).wait()

    def issue_out(s, out_v, sem):
        pltpu.async_copy(out_v, out_hbm.at[pl.ds(rbase(s), SZ)], sem)

    def wait_out(out_v, sem):
        pltpu.make_async_copy(out_v, out_hbm.at[pl.ds(0, SZ)], sem).wait()

    def _init(j, c):
        a_v[pl.ds(j * L, L)] = zero16
        b_v[pl.ds(j * L, L)] = zero16
        return c
    lax.fori_loop(0, N_S * C, _init, 0)

    def compute(bins_v, w_v, out_v):
        def group_body(g, carry2):
            ofs = g * (CL * NBP)
            gP = [laneP[k] + ofs for k in range(C)]

            @plsc.parallel_loop(0, N_B, unroll=4,
                                carry=tuple((zero16, gP[k]) for k in range(C)))
            def tot(i, c):
                out = []
                for k in range(C):
                    acc, idxv = c[k]
                    col = plsc.load_gather(w_v, [idxv])
                    out.append((acc + col, idxv + one16i))
                return tuple(out)

            inv128 = [128.0 / tot[k][0] for k in range(C)]

            def scatter(k, scdf0, dA, dB):
                jf = (scdf0 + MAGIC) - MAGIC
                j = jf.astype(jnp.int32)
                j = jnp.minimum(j, N_S)
                idx = j * CL + klane[k]
                plsc.addupdate_scatter(a_v, [idx], dA)
                plsc.addupdate_scatter(b_v, [idx], dB)

            bins0 = [plsc.load_gather(bins_v, [gP[k]]) for k in range(C)]

            @plsc.parallel_loop(0, N_B, unroll=4,
                                carry=tuple(
                                    (zero16, zero16, bins0[k], zero16, zero16,
                                     gP[k]) for k in range(C)))
            def cfin(i, c):
                out = []
                for k in range(C):
                    acc, scdf0, bi, A_prev, B_prev, idxv = c[k]
                    wcol = plsc.load_gather(w_v, [idxv])
                    acc = acc + wcol
                    scdf1 = acc * inv128[k]
                    idxv1 = idxv + one16i
                    bi1 = plsc.load_gather(bins_v, [idxv1])
                    denom = scdf1 - scdf0
                    denom = jnp.where(denom < 1.28e-3, 128.0, denom)
                    B = (bi1 - bi) / denom
                    A = bi - scdf0 * B
                    scatter(k, scdf0, A - A_prev, B - B_prev)
                    out.append((acc, scdf1, bi1, A, B, idxv1))
                return tuple(out)

            for k in range(C):
                _, scdfN, binsN, A_prev, B_prev, _ = cfin[k]
                scatter(k, scdfN, binsN - A_prev, -B_prev)

            u0 = jnp.full((L,), 0.5, jnp.float32)

            @plsc.parallel_loop(0, N_S, unroll=4,
                                carry=tuple((zero16, zero16, gP[k])
                                            for k in range(C)) + (u0,))
            def _p3(j, c3):
                u = c3[-1]
                out = []
                for k in range(C):
                    aa, ab, idxv = c3[k]
                    row = pl.ds(j * CL + k * L, L)
                    aa = aa + a_v[row]
                    ab = ab + b_v[row]
                    a_v[row] = zero16
                    b_v[row] = zero16
                    val = aa + u * ab
                    plsc.store_scatter(out_v, [idxv], val)
                    out.append((aa, ab, idxv + one16i))
                out.append(u + 1.0)
                return tuple(out)

            return carry2

        lax.fori_loop(0, G, group_body, 0)

    issue_in(0, bins0_v, w0_v, semi0)
    issue_out(0, out0_v, semo0)
    issue_out(1, out1_v, semo1)

    def pair_body(p, carry):
        s0 = p * 2
        wait_in(bins0_v, w0_v, semi0)
        issue_in(jnp.minimum(s0 + 1, NSUP - 1), bins1_v, w1_v, semi1)
        wait_out(out0_v, semo0)
        compute(bins0_v, w0_v, out0_v)
        issue_out(s0, out0_v, semo0)
        s1 = s0 + 1
        wait_in(bins1_v, w1_v, semi1)
        issue_in(jnp.minimum(s1 + 1, NSUP - 1), bins0_v, w0_v, semi0)
        wait_out(out1_v, semo1)
        compute(bins1_v, w1_v, out1_v)
        issue_out(s1, out1_v, semo1)
        return carry

    lax.fori_loop(0, NSUP // 2, pair_body, 0)

    wait_in(bins0_v, w0_v, semi0)
    wait_out(out0_v, semo0)
    wait_out(out1_v, semo1)


@jax.jit
def _run(bins, weights):
    mesh = plsc.VectorSubcoreMesh(core_axis_name="c", subcore_axis_name="s")
    kfn = pl.kernel(
        _sc_body,
        out_type=jax.ShapeDtypeStruct((N_R * NBP,), jnp.float32),
        mesh=mesh,
        compiler_params=pltpu.CompilerParams(needs_layout_passes=False),
        scratch_types=[
            pltpu.VMEM((SZ,), jnp.float32),
            pltpu.VMEM((SZ,), jnp.float32),
            pltpu.VMEM((SZ,), jnp.float32),
            pltpu.VMEM((SZ,), jnp.float32),
            pltpu.VMEM((SZ,), jnp.float32),
            pltpu.VMEM((SZ,), jnp.float32),
            pltpu.VMEM(((N_S + 1) * CL,), jnp.float32),
            pltpu.VMEM(((N_S + 1) * CL,), jnp.float32),
            pltpu.SemaphoreType.DMA,
            pltpu.SemaphoreType.DMA,
            pltpu.SemaphoreType.DMA,
            pltpu.SemaphoreType.DMA,
        ],
    )
    w_pad = jnp.pad(weights + 1e-5, ((0, 0), (0, 1)))
    out = kfn(bins.reshape(-1), w_pad.reshape(-1))
    return out.reshape(N_R, NBP)[:, :N_S]


def kernel(bins, weights, n_samples):
    return _run(bins, weights)

# --- scband reference (transcript-rebuilt; emitter-appended) ---
"""Pipeline reference for scband-ne-rfrenderer-6210522710171 (READ-ONLY COPY).

The authoritative reference and input builder live on the scoring server;
editing this copy changes nothing except your own understanding.
"""

import jax, jax.numpy as jnp
import numpy as np

N_RAYS = 65536
N_BINS = 128
N_SAMPLES = 128


def setup_inputs(seed: int = 0) -> dict:
    key = jax.random.key(seed)
    k1, k2 = jax.random.split(key)
    # bins must be monotonically increasing depths along each ray
    deltas = jax.random.uniform(k1, (N_RAYS, N_BINS + 1), dtype=jnp.float32, minval=0.01, maxval=1.0)
    bins = jnp.cumsum(deltas, axis=-1) * 0.05
    weights = jax.random.uniform(k2, (N_RAYS, N_BINS), dtype=jnp.float32, minval=0.0, maxval=1.0)
    return {"bins": bins, "weights": weights, "n_samples": N_SAMPLES}


def _sample_pdf(bins, weights, n_samples):
    # Faithful translation of sample_pdf with det=True
    weights = weights + 1e-05
    pdf = weights / jnp.sum(weights, axis=-1, keepdims=True)
    cdf = jnp.cumsum(pdf, axis=-1)
    cdf = jnp.concatenate([jnp.zeros_like(cdf[..., :1]), cdf], axis=-1)
    u = jnp.linspace(0.5 / n_samples, 1.0 - 0.5 / n_samples, N_SAMPLES, dtype=cdf.dtype)
    u = jnp.broadcast_to(u, cdf.shape[:-1] + (N_SAMPLES,))
    inds = jax.vmap(lambda c, uu: jnp.searchsorted(c, uu, side='right'))(cdf, u)
    below = jnp.maximum(inds - 1, 0)
    above = jnp.minimum(inds, cdf.shape[-1] - 1)
    inds_g = jnp.stack([below, above], axis=-1)
    matched_shape = (inds_g.shape[0], inds_g.shape[1], cdf.shape[-1])
    cdf_g = jnp.take_along_axis(jnp.broadcast_to(cdf[:, None, :], matched_shape), inds_g, axis=2)
    bins_g = jnp.take_along_axis(jnp.broadcast_to(bins[:, None, :], matched_shape), inds_g, axis=2)
    denom = cdf_g[..., 1] - cdf_g[..., 0]
    denom = jnp.where(denom < 1e-05, jnp.ones_like(denom), denom)
    t = (u - cdf_g[..., 0]) / denom
    samples = bins_g[..., 0] + t * (bins_g[..., 1] - bins_g[..., 0])
    return samples


def reference(bins, weights, n_samples):
    return _sample_pdf(bins, weights, n_samples)

if __name__ == "__main__":
    import jax
    _d = setup_inputs()
    print(jax.jit(kernel)(*tuple(_d.values())))

</pallas_src>

<mosaic_0001>
#map = affine_map<(d0, d1) -> (0)>
module attributes {stable_mosaic.version = 14 : i64} {
  func.func @_sc_body(%arg0: i32, %arg1: i32, %arg2: memref<8454144xf32, #tpu.memory_space<hbm>>, %arg3: memref<8454144xf32, #tpu.memory_space<hbm>>, %arg4: memref<8454144xf32, #tpu.memory_space<hbm>>, %arg5: memref<16512xf32, #tpu.memory_space<vmem>>, %arg6: memref<16512xf32, #tpu.memory_space<vmem>>, %arg7: memref<16512xf32, #tpu.memory_space<vmem>>, %arg8: memref<16512xf32, #tpu.memory_space<vmem>>, %arg9: memref<16512xf32, #tpu.memory_space<vmem>>, %arg10: memref<16512xf32, #tpu.memory_space<vmem>>, %arg11: memref<4128xf32, #tpu.memory_space<vmem>>, %arg12: memref<4128xf32, #tpu.memory_space<vmem>>, %arg13: memref<!tpu.dma_semaphore, #tpu.memory_space<semaphore_mem>>, %arg14: memref<!tpu.dma_semaphore, #tpu.memory_space<semaphore_mem>>, %arg15: memref<!tpu.dma_semaphore, #tpu.memory_space<semaphore_mem>>, %arg16: memref<!tpu.dma_semaphore, #tpu.memory_space<semaphore_mem>>) attributes {dimension_semantics = [#tpu.dimension_semantics<core_parallel>, #tpu.dimension_semantics<subcore_parallel>], iteration_bounds = array<i64: 2, 16>, scalar_prefetch = 0 : i64, scratch_operands = 12 : i64, tpu.core_type = #tpu.core_type<sc_vector_subcore>, window_params = [{transform_indices = #map}, {transform_indices = #map}, {transform_indices = #map}]} {
    %mul3A = arith.constant 2 : i32
    %mul3A_0 = arith.muli %arg1, %mul3A : i32
    %add3A = arith.addi %mul3A_0, %arg0 : i32
    %iota3A = tpu.iota {dimensions = array<i32: 0>} : vector<16xi32>
    %mul3A_1 = arith.constant 129 : i32
    %mul3A_2 = vector.broadcast %mul3A_1 : i32 to vector<16xi32>
    %mul3A_3 = arith.muli %iota3A, %mul3A_2 : vector<16xi32>
    %add3A_4 = arith.constant 0 : i32
    %add3A_5 = vector.broadcast %add3A_4 : i32 to vector<16xi32>
    %add3A_6 = arith.addi %mul3A_3, %add3A_5 : vector<16xi32>
    %mul3A_7 = arith.constant 129 : i32
    %mul3A_8 = vector.broadcast %mul3A_7 : i32 to vector<16xi32>
    %mul3A_9 = arith.muli %iota3A, %mul3A_8 : vector<16xi32>
    %add3A_10 = arith.constant 2064 : i32
    %add3A_11 = vector.broadcast %add3A_10 : i32 to vector<16xi32>
    %add3A_12 = arith.addi %mul3A_9, %add3A_11 : vector<16xi32>
    %broadcast_in_dim3A = arith.constant 0 : i32
    %broadcast_in_dim3A_13 = vector.broadcast %broadcast_in_dim3A : i32 to vector<16xi32>
    %add3A_14 = arith.addi %broadcast_in_dim3A_13, %iota3A : vector<16xi32>
    %broadcast_in_dim3A_15 = arith.constant 16 : i32
    %broadcast_in_dim3A_16 = vector.broadcast %broadcast_in_dim3A_15 : i32 to vector<16xi32>
    %add3A_17 = arith.addi %broadcast_in_dim3A_16, %iota3A : vector<16xi32>
    %broadcast_in_dim3A_18 = arith.constant 0.000000e+00 : f32
    %broadcast_in_dim3A_19 = vector.broadcast %broadcast_in_dim3A_18 : f32 to vector<16xf32>
    %broadcast_in_dim3A_20 = arith.constant 1 : i32
    %broadcast_in_dim3A_21 = vector.broadcast %broadcast_in_dim3A_20 : i32 to vector<16xi32>
    %scan3A = arith.constant 0 : i32
    %scan3A_22 = arith.constant 0 : i32
    %scan3A_23 = arith.constant 256 : i32
    %scan3A_24 = arith.addi %scan3A_22, %scan3A_23 : i32
    %scan3A_25 = arith.constant 1 : i32
    scf.for %scan3A_79 = %scan3A_22 to %scan3A_24 step %scan3A_25  : i32 {
      %mul3A_80 = arith.constant 16 : i32
      %mul3A_81 = arith.muli %scan3A_79, %mul3A_80 : i32
      %swap3A = arith.index_cast %mul3A_81 : i32 to index
      %swap3A_82 = tpu.vector_load %arg11[%swap3A] {strides = array<i32>} : memref<4128xf32, #tpu.memory_space<vmem>>, vector<16xf32>,
      tpu.vector_store %arg11[%swap3A], %broadcast_in_dim3A_19 {strides = array<i32>} : memref<4128xf32, #tpu.memory_space<vmem>>, vector<16xf32>,
      %mul3A_83 = arith.constant 16 : i32
      %mul3A_84 = arith.muli %scan3A_79, %mul3A_83 : i32
      %swap3A_85 = arith.index_cast %mul3A_84 : i32 to index
      %swap3A_86 = tpu.vector_load %arg12[%swap3A_85] {strides = array<i32>} : memref<4128xf32, #tpu.memory_space<vmem>>, vector<16xf32>,
      tpu.vector_store %arg12[%swap3A_85], %broadcast_in_dim3A_19 {strides = array<i32>} : memref<4128xf32, #tpu.memory_space<vmem>>, vector<16xf32>,
    }
    %scan3A_26 = arith.constant 256 : i32
    %mul3A_27 = arith.constant 2048 : i32
    %mul3A_28 = arith.muli %add3A, %mul3A_27 : i32
    %add3A_29 = arith.constant 0 : i32
    %add3A_30 = arith.addi %mul3A_28, %add3A_29 : i32
    %mul3A_31 = arith.constant 129 : i32
    %mul3A_32 = arith.muli %add3A_30, %mul3A_31 : i32
    %dma_start3A = tpu.memref_slice %arg2[%mul3A_32] : memref<8454144xf32, #tpu.memory_space<hbm>> -> memref<16512xf32, #tpu.memory_space<hbm>>
    %dma_start3A_33 = tpu.memref_slice %arg2[%mul3A_32] : memref<8454144xf32, #tpu.memory_space<hbm>> -> memref<16512xf32, #tpu.memory_space<hbm>>
    tpu.enqueue_dma source(%dma_start3A_33 : memref<16512xf32, #tpu.memory_space<hbm>>) target(%arg5 : memref<16512xf32, #tpu.memory_space<vmem>>) target_semaphore(%arg13 : memref<!tpu.dma_semaphore, #tpu.memory_space<semaphore_mem>>)
    %mul3A_34 = arith.constant 2048 : i32
    %mul3A_35 = arith.muli %add3A, %mul3A_34 : i32
    %add3A_36 = arith.constant 0 : i32
    %add3A_37 = arith.addi %mul3A_35, %add3A_36 : i32
    %mul3A_38 = arith.constant 129 : i32
    %mul3A_39 = arith.muli %add3A_37, %mul3A_38 : i32
    %dma_start3A_40 = tpu.memref_slice %arg3[%mul3A_39] : memref<8454144xf32, #tpu.memory_space<hbm>> -> memref<16512xf32, #tpu.memory_space<hbm>>
    %dma_start3A_41 = tpu.memref_slice %arg3[%mul3A_39] : memref<8454144xf32, #tpu.memory_space<hbm>> -> memref<16512xf32, #tpu.memory_space<hbm>>
    tpu.enqueue_dma source(%dma_start3A_41 : memref<16512xf32, #tpu.memory_space<hbm>>) target(%arg6 : memref<16512xf32, #tpu.memory_space<vmem>>) target_semaphore(%arg13 : memref<!tpu.dma_semaphore, #tpu.memory_space<semaphore_mem>>)
    %mul3A_42 = arith.constant 2048 : i32
    %mul3A_43 = arith.muli %add3A, %mul3A_42 : i32
    %add3A_44 = arith.constant 0 : i32
    %add3A_45 = arith.addi %mul3A_43, %add3A_44 : i32
    %mul3A_46 = arith.constant 129 : i32
    %mul3A_47 = arith.muli %add3A_45, %mul3A_46 : i32
    %dma_start3A_48 = tpu.memref_slice %arg4[%mul3A_47] : memref<8454144xf32, #tpu.memory_space<hbm>> -> memref<16512xf32, #tpu.memory_space<hbm>>
    %dma_start3A_49 = tpu.memref_slice %arg4[%mul3A_47] : memref<8454144xf32, #tpu.memory_space<hbm>> -> memref<16512xf32, #tpu.memory_space<hbm>>
    tpu.enqueue_dma source(%arg7 : memref<16512xf32, #tpu.memory_space<vmem>>) target(%dma_start3A_49 : memref<16512xf32, #tpu.memory_space<hbm>>) target_semaphore(%arg15 : memref<!tpu.dma_semaphore, #tpu.memory_space<semaphore_mem>>)
    %mul3A_50 = arith.constant 2048 : i32
    %mul3A_51 = arith.muli %add3A, %mul3A_50 : i32
    %add3A_52 = arith.constant 128 : i32
    %add3A_53 = arith.addi %mul3A_51, %add3A_52 : i32
    %mul3A_54 = arith.constant 129 : i32
    %mul3A_55 = arith.muli %add3A_53, %mul3A_54 : i32
    %dma_start3A_56 = tpu.memref_slice %arg4[%mul3A_55] : memref<8454144xf32, #tpu.memory_space<hbm>> -> memref<16512xf32, #tpu.memory_space<hbm>>
    %dma_start3A_57 = tpu.memref_slice %arg4[%mul3A_55] : memref<8454144xf32, #tpu.memory_space<hbm>> -> memref<16512xf32, #tpu.memory_space<hbm>>
    tpu.enqueue_dma source(%arg10 : memref<16512xf32, #tpu.memory_space<vmem>>) target(%dma_start3A_57 : memref<16512xf32, #tpu.memory_space<hbm>>) target_semaphore(%arg16 : memref<!tpu.dma_semaphore, #tpu.memory_space<semaphore_mem>>)
    %scan3A_58 = arith.constant 0 : i32
    %scan3A_59 = arith.constant 0 : i32
    %scan3A_60 = arith.constant 8 : i32
    %scan3A_61 = arith.addi %scan3A_59, %scan3A_60 : i32
    %scan3A_62 = arith.constant 1 : i32
    scf.for %scan3A_79 = %scan3A_59 to %scan3A_61 step %scan3A_62  : i32 {
      %mul3A_80 = arith.constant 2 : i32
      %mul3A_81 = arith.muli %scan3A_79, %mul3A_80 : i32
      %dma_wait3A_82 = arith.constant 0 : i32
      %dma_wait3A_83 = tpu.memref_slice %arg2[%dma_wait3A_82] : memref<8454144xf32, #tpu.memory_space<hbm>> -> memref<16512xf32, #tpu.memory_space<hbm>>
      %dma_wait3A_84 = arith.constant 0 : i32
      %dma_wait3A_85 = tpu.memref_slice %arg2[%dma_wait3A_84] : memref<8454144xf32, #tpu.memory_space<hbm>> -> memref<16512xf32, #tpu.memory_space<hbm>>
      tpu.wait_dma2 semaphore(%arg13 : memref<!tpu.dma_semaphore, #tpu.memory_space<semaphore_mem>>) src(%dma_wait3A_85 : memref<16512xf32, #tpu.memory_space<hbm>>) dst(%arg5 : memref<16512xf32, #tpu.memory_space<vmem>>)
      %dma_wait3A_86 = arith.constant 0 : i32
      %dma_wait3A_87 = tpu.memref_slice %arg3[%dma_wait3A_86] : memref<8454144xf32, #tpu.memory_space<hbm>> -> memref<16512xf32, #tpu.memory_space<hbm>>
      %dma_wait3A_88 = arith.constant 0 : i32
      %dma_wait3A_89 = tpu.memref_slice %arg3[%dma_wait3A_88] : memref<8454144xf32, #tpu.memory_space<hbm>> -> memref<16512xf32, #tpu.memory_space<hbm>>
      tpu.wait_dma2 semaphore(%arg13 : memref<!tpu.dma_semaphore, #tpu.memory_space<semaphore_mem>>) src(%dma_wait3A_89 : memref<16512xf32, #tpu.memory_space<hbm>>) dst(%arg6 : memref<16512xf32, #tpu.memory_space<vmem>>)
      %add3A_90 = arith.constant 1 : i32
      %add3A_91 = arith.addi %mul3A_81, %add3A_90 : i32
      %min3A = arith.constant 15 : i32
      %min3A_92 = arith.minsi %add3A_91, %min3A : i32
      %mul3A_93 = arith.constant 2048 : i32
      %mul3A_94 = arith.muli %add3A, %mul3A_93 : i32
      %mul3A_95 = arith.constant 128 : i32
      %mul3A_96 = arith.muli %min3A_92, %mul3A_95 : i32
      %add3A_97 = arith.addi %mul3A_94, %mul3A_96 : i32
      %mul3A_98 = arith.constant 129 : i32
      %mul3A_99 = arith.muli %add3A_97, %mul3A_98 : i32
      %dma_start3A_100 = tpu.memref_slice %arg2[%mul3A_99] : memref<8454144xf32, #tpu.memory_space<hbm>> -> memref<16512xf32, #tpu.memory_space<hbm>>
      %dma_start3A_101 = tpu.memref_slice %arg2[%mul3A_99] : memref<8454144xf32, #tpu.memory_space<hbm>> -> memref<16512xf32, #tpu.memory_space<hbm>>
      tpu.enqueue_dma source(%dma_start3A_101 : memref<16512xf32, #tpu.memory_space<hbm>>) target(%arg8 : memref<16512xf32, #tpu.memory_space<vmem>>) target_semaphore(%arg14 : memref<!tpu.dma_semaphore, #tpu.memory_space<semaphore_mem>>)
      %mul3A_102 = arith.constant 2048 : i32
      %mul3A_103 = arith.muli %add3A, %mul3A_102 : i32
      %mul3A_104 = arith.constant 128 : i32
      %mul3A_105 = arith.muli %min3A_92, %mul3A_104 : i32
      %add3A_106 = arith.addi %mul3A_103, %mul3A_105 : i32
      %mul3A_107 = arith.constant 129 : i32
      %mul3A_108 = arith.muli %add3A_106, %mul3A_107 : i32
      %dma_start3A_109 = tpu.memref_slice %arg3[%mul3A_108] : memref<8454144xf32, #tpu.memory_space<hbm>> -> memref<16512xf32, #tpu.memory_space<hbm>>
      %dma_start3A_110 = tpu.memref_slice %arg3[%mul3A_108] : memref<8454144xf32, #tpu.memory_space<hbm>> -> memref<16512xf32, #tpu.memory_space<hbm>>
      tpu.enqueue_dma source(%dma_start3A_110 : memref<16512xf32, #tpu.memory_space<hbm>>) target(%arg9 : memref<16512xf32, #tpu.memory_space<vmem>>) target_semaphore(%arg14 : memref<!tpu.dma_semaphore, #tpu.memory_space<semaphore_mem>>)
      %dma_wait3A_111 = arith.constant 0 : i32
      %dma_wait3A_112 = tpu.memref_slice %arg4[%dma_wait3A_111] : memref<8454144xf32, #tpu.memory_space<hbm>> -> memref<16512xf32, #tpu.memory_space<hbm>>
      %dma_wait3A_113 = arith.constant 0 : i32
      %dma_wait3A_114 = tpu.memref_slice %arg4[%dma_wait3A_113] : memref<8454144xf32, #tpu.memory_space<hbm>> -> memref<16512xf32, #tpu.memory_space<hbm>>
      tpu.wait_dma2 semaphore(%arg15 : memref<!tpu.dma_semaphore, #tpu.memory_space<semaphore_mem>>) src(%arg7 : memref<16512xf32, #tpu.memory_space<vmem>>) dst(%dma_wait3A_114 : memref<16512xf32, #tpu.memory_space<hbm>>)
      %scan3A_115 = arith.constant 0 : i32
      %scan3A_116 = arith.constant 0 : i32
      %scan3A_117 = arith.constant 4 : i32
      %scan3A_118 = arith.addi %scan3A_116, %scan3A_117 : i32
      %scan3A_119 = arith.constant 1 : i32
      scf.for %scan3A_181 = %scan3A_116 to %scan3A_118 step %scan3A_119  : i32 {
        %mul3A_182 = arith.constant 4128 : i32
        %mul3A_183 = arith.muli %scan3A_181, %mul3A_182 : i32
        %add3A_184 = vector.broadcast %mul3A_183 : i32 to vector<16xi32>
        %add3A_185 = arith.addi %add3A_6, %add3A_184 : vector<16xi32>
        %add3A_186 = vector.broadcast %mul3A_183 : i32 to vector<16xi32>
        %add3A_187 = arith.addi %add3A_12, %add3A_186 : vector<16xi32>
        %parallel_loop3A = arith.constant 0 : i32
        %parallel_loop3A_188 = arith.constant 128 : i32
        %parallel_loop3A_189 = arith.constant 1 : i32
        %parallel_loop3A_190:4 = scf.for %parallel_loop3A_240 = %parallel_loop3A to %parallel_loop3A_188 step %parallel_loop3A_189 iter_args(%parallel_loop3A_241 = %broadcast_in_dim3A_19, %parallel_loop3A_242 = %add3A_185, %parallel_loop3A_243 = %broadcast_in_dim3A_19, %parallel_loop3A_244 = %add3A_187) -> (vector<16xf32>, vector<16xi32>, vector<16xf32>, vector<16xi32>)  : i32 {
          %parallel_loop3A_245 = tpu.vector_load_idx %arg6[%parallel_loop3A_242] : memref<16512xf32, #tpu.memory_space<vmem>>[vector<16xi32>], vector<16xf32>,
          %parallel_loop3A_246 = arith.addf %parallel_loop3A_241, %parallel_loop3A_245 : vector<16xf32>
          %parallel_loop3A_247 = arith.addi %parallel_loop3A_242, %broadcast_in_dim3A_21 : vector<16xi32>
          %parallel_loop3A_248 = tpu.vector_load_idx %arg6[%parallel_loop3A_244] : memref<16512xf32, #tpu.memory_space<vmem>>[vector<16xi32>], vector<16xf32>,
          %parallel_loop3A_249 = arith.addf %parallel_loop3A_243, %parallel_loop3A_248 : vector<16xf32>
          %parallel_loop3A_250 = arith.addi %parallel_loop3A_244, %broadcast_in_dim3A_21 : vector<16xi32>
          scf.yield %parallel_loop3A_246, %parallel_loop3A_247, %parallel_loop3A_249, %parallel_loop3A_250 : vector<16xf32>, vector<16xi32>, vector<16xf32>, vector<16xi32>
        } {sc.loop_unroll_factor = 4 : i64, sc.parallel_access}
        %div3A = arith.constant 1.280000e+02 : f32
        %div3A_191 = vector.broadcast %div3A : f32 to vector<16xf32>
        %div3A_192 = arith.divf %div3A_191, %parallel_loop3A_190#0 : vector<16xf32>
        %div3A_193 = arith.constant 1.280000e+02 : f32
        %div3A_194 = vector.broadcast %div3A_193 : f32 to vector<16xf32>
        %div3A_195 = arith.divf %div3A_194, %parallel_loop3A_190#2 : vector<16xf32>
        %gather3A = tpu.vector_load_idx %arg5[%add3A_185] : memref<16512xf32, #tpu.memory_space<vmem>>[vector<16xi32>], vector<16xf32>,
        %gather3A_196 = tpu.vector_load_idx %arg5[%add3A_187] : memref<16512xf32, #tpu.memory_space<vmem>>[vector<16xi32>], vector<16xf32>,
        %parallel_loop3A_197 = arith.constant 0 : i32
        %parallel_loop3A_198 = arith.constant 128 : i32
        %parallel_loop3A_199 = arith.constant 1 : i32
        %parallel_loop3A_200:12 = scf.for %parallel_loop3A_240 = %parallel_loop3A_197 to %parallel_loop3A_198 step %parallel_loop3A_199 iter_args(%parallel_loop3A_241 = %broadcast_in_dim3A_19, %parallel_loop3A_242 = %broadcast_in_dim3A_19, %parallel_loop3A_243 = %gather3A, %parallel_loop3A_244 = %broadcast_in_dim3A_19, %parallel_loop3A_245 = %broadcast_in_dim3A_19, %parallel_loop3A_246 = %add3A_185, %parallel_loop3A_247 = %broadcast_in_dim3A_19, %parallel_loop3A_248 = %broadcast_in_dim3A_19, %parallel_loop3A_249 = %gather3A_196, %parallel_loop3A_250 = %broadcast_in_dim3A_19, %parallel_loop3A_251 = %broadcast_in_dim3A_19, %parallel_loop3A_252 = %add3A_187) -> (vector<16xf32>, vector<16xf32>, vector<16xf32>, vector<16xf32>, vector<16xf32>, vector<16xi32>, vector<16xf32>, vector<16xf32>, vector<16xf32>, vector<16xf32>, vector<16xf32>, vector<16xi32>)  : i32 {
          %parallel_loop3A_253 = tpu.vector_load_idx %arg6[%parallel_loop3A_246] : memref<16512xf32, #tpu.memory_space<vmem>>[vector<16xi32>], vector<16xf32>,
          %parallel_loop3A_254 = arith.addf %parallel_loop3A_241, %parallel_loop3A_253 : vector<16xf32>
          %parallel_loop3A_255 = arith.mulf %parallel_loop3A_254, %div3A_192 : vector<16xf32>
          %parallel_loop3A_256 = arith.addi %parallel_loop3A_246, %broadcast_in_dim3A_21 : vector<16xi32>
          %parallel_loop3A_257 = tpu.vector_load_idx %arg5[%parallel_loop3A_256] : memref<16512xf32, #tpu.memory_space<vmem>>[vector<16xi32>], vector<16xf32>,
          %parallel_loop3A_258 = arith.subf %parallel_loop3A_255, %parallel_loop3A_242 : vector<16xf32>
          %parallel_loop3A_259 = arith.constant 1.280000e-03 : f32
          %parallel_loop3A_260 = vector.broadcast %parallel_loop3A_259 : f32 to vector<16xf32>
          %parallel_loop3A_261 = arith.cmpf olt, %parallel_loop3A_258, %parallel_loop3A_260 : vector<16xf32>
          %parallel_loop3A_262 = arith.constant 1.280000e+02 : f32
          %parallel_loop3A_263 = vector.broadcast %parallel_loop3A_262 : f32 to vector<16xf32>
          %parallel_loop3A_264 = arith.select %parallel_loop3A_261, %parallel_loop3A_263, %parallel_loop3A_258 : vector<16xi1>, vector<16xf32>
          %parallel_loop3A_265 = arith.subf %parallel_loop3A_257, %parallel_loop3A_243 : vector<16xf32>
          %parallel_loop3A_266 = arith.divf %parallel_loop3A_265, %parallel_loop3A_264 : vector<16xf32>
          %parallel_loop3A_267 = arith.mulf %parallel_loop3A_242, %parallel_loop3A_266 : vector<16xf32>
          %parallel_loop3A_268 = arith.subf %parallel_loop3A_243, %parallel_loop3A_267 : vector<16xf32>
          %parallel_loop3A_269 = arith.subf %parallel_loop3A_268, %parallel_loop3A_244 : vector<16xf32>
          %parallel_loop3A_270 = arith.subf %parallel_loop3A_266, %parallel_loop3A_245 : vector<16xf32>
          %parallel_loop3A_271 = arith.constant 0x4B400000 : f32
          %parallel_loop3A_272 = vector.broadcast %parallel_loop3A_271 : f32 to vector<16xf32>
          %parallel_loop3A_273 = arith.addf %parallel_loop3A_242, %parallel_loop3A_272 : vector<16xf32>
          %parallel_loop3A_274 = arith.constant 0x4B400000 : f32
          %parallel_loop3A_275 = vector.broadcast %parallel_loop3A_274 : f32 to vector<16xf32>
          %parallel_loop3A_276 = arith.subf %parallel_loop3A_273, %parallel_loop3A_275 : vector<16xf32>
          %parallel_loop3A_277 = arith.fptosi %parallel_loop3A_276 : vector<16xf32> to vector<16xi32>
          %parallel_loop3A_278 = arith.constant 128 : i32
          %parallel_loop3A_279 = vector.broadcast %parallel_loop3A_278 : i32 to vector<16xi32>
          %parallel_loop3A_280 = arith.minsi %parallel_loop3A_277, %parallel_loop3A_279 : vector<16xi32>
          %parallel_loop3A_281 = arith.constant 32 : i32
          %parallel_loop3A_282 = vector.broadcast %parallel_loop3A_281 : i32 to vector<16xi32>
          %parallel_loop3A_283 = arith.muli %parallel_loop3A_280, %parallel_loop3A_282 : vector<16xi32>
          %parallel_loop3A_284 = arith.addi %parallel_loop3A_283, %add3A_14 : vector<16xi32>
          tpu.vector_store_idx %arg11[%parallel_loop3A_284], %parallel_loop3A_269 {add = true} : memref<4128xf32, #tpu.memory_space<vmem>>[vector<16xi32>], vector<16xf32>,
          tpu.vector_store_idx %arg12[%parallel_loop3A_284], %parallel_loop3A_270 {add = true} : memref<4128xf32, #tpu.memory_space<vmem>>[vector<16xi32>], vector<16xf32>,
          %parallel_loop3A_285 = tpu.vector_load_idx %arg6[%parallel_loop3A_252] : memref<16512xf32, #tpu.memory_space<vmem>>[vector<16xi32>], vector<16xf32>,
          %parallel_loop3A_286 = arith.addf %parallel_loop3A_247, %parallel_loop3A_285 : vector<16xf32>
          %parallel_loop3A_287 = arith.mulf %parallel_loop3A_286, %div3A_195 : vector<16xf32>
          %parallel_loop3A_288 = arith.addi %parallel_loop3A_252, %broadcast_in_dim3A_21 : vector<16xi32>
          %parallel_loop3A_289 = tpu.vector_load_idx %arg5[%parallel_loop3A_288] : memref<16512xf32, #tpu.memory_space<vmem>>[vector<16xi32>], vector<16xf32>,
          %parallel_loop3A_290 = arith.subf %parallel_loop3A_287, %parallel_loop3A_248 : vector<16xf32>
          %parallel_loop3A_291 = arith.constant 1.280000e-03 : f32
          %parallel_loop3A_292 = vector.broadcast %parallel_loop3A_291 : f32 to vector<16xf32>
          %parallel_loop3A_293 = arith.cmpf olt, %parallel_loop3A_290, %parallel_loop3A_292 : vector<16xf32>
          %parallel_loop3A_294 = arith.constant 1.280000e+02 : f32
          %parallel_loop3A_295 = vector.broadcast %parallel_loop3A_294 : f32 to vector<16xf32>
          %parallel_loop3A_296 = arith.select %parallel_loop3A_293, %parallel_loop3A_295, %parallel_loop3A_290 : vector<16xi1>, vector<16xf32>
          %parallel_loop3A_297 = arith.subf %parallel_loop3A_289, %parallel_loop3A_249 : vector<16xf32>
          %parallel_loop3A_298 = arith.divf %parallel_loop3A_297, %parallel_loop3A_296 : vector<16xf32>
          %parallel_loop3A_299 = arith.mulf %parallel_loop3A_248, %parallel_loop3A_298 : vector<16xf32>
          %parallel_loop3A_300 = arith.subf %parallel_loop3A_249, %parallel_loop3A_299 : vector<16xf32>
          %parallel_loop3A_301 = arith.subf %parallel_loop3A_300, %parallel_loop3A_250 : vector<16xf32>
          %parallel_loop3A_302 = arith.subf %parallel_loop3A_298, %parallel_loop3A_251 : vector<16xf32>
          %parallel_loop3A_303 = arith.constant 0x4B400000 : f32
          %parallel_loop3A_304 = vector.broadcast %parallel_loop3A_303 : f32 to vector<16xf32>
          %parallel_loop3A_305 = arith.addf %parallel_loop3A_248, %parallel_loop3A_304 : vector<16xf32>
          %parallel_loop3A_306 = arith.constant 0x4B400000 : f32
          %parallel_loop3A_307 = vector.broadcast %parallel_loop3A_306 : f32 to vector<16xf32>
          %parallel_loop3A_308 = arith.subf %parallel_loop3A_305, %parallel_loop3A_307 : vector<16xf32>
          %parallel_loop3A_309 = arith.fptosi %parallel_loop3A_308 : vector<16xf32> to vector<16xi32>
          %parallel_loop3A_310 = arith.constant 128 : i32
          %parallel_loop3A_311 = vector.broadcast %parallel_loop3A_310 : i32 to vector<16xi32>
          %parallel_loop3A_312 = arith.minsi %parallel_loop3A_309, %parallel_loop3A_311 : vector<16xi32>
          %parallel_loop3A_313 = arith.constant 32 : i32
          %parallel_loop3A_314 = vector.broadcast %parallel_loop3A_313 : i32 to vector<16xi32>
          %parallel_loop3A_315 = arith.muli %parallel_loop3A_312, %parallel_loop3A_314 : vector<16xi32>
          %parallel_loop3A_316 = arith.addi %parallel_loop3A_315, %add3A_17 : vector<16xi32>
          tpu.vector_store_idx %arg11[%parallel_loop3A_316], %parallel_loop3A_301 {add = true} : memref<4128xf32, #tpu.memory_space<vmem>>[vector<16xi32>], vector<16xf32>,
          tpu.vector_store_idx %arg12[%parallel_loop3A_316], %parallel_loop3A_302 {add = true} : memref<4128xf32, #tpu.memory_space<vmem>>[vector<16xi32>], vector<16xf32>,
          scf.yield %parallel_loop3A_254, %parallel_loop3A_255, %parallel_loop3A_257, %parallel_loop3A_268, %parallel_loop3A_266, %parallel_loop3A_256, %parallel_loop3A_286, %parallel_loop3A_287, %parallel_loop3A_289, %parallel_loop3A_300, %parallel_loop3A_298, %parallel_loop3A_288 : vector<16xf32>, vector<16xf32>, vector<16xf32>, vector<16xf32>, vector<16xf32>, vector<16xi32>, vector<16xf32>, vector<16xf32>, vector<16xf32>, vector<16xf32>, vector<16xf32>, vector<16xi32>
        } {sc.loop_unroll_factor = 4 : i64, sc.parallel_access}
        %sub3A = arith.subf %parallel_loop3A_200#2, %parallel_loop3A_200#3 : vector<16xf32>
        %neg3A = arith.constant 0.000000e+00 : f32
        %neg3A_201 = vector.broadcast %neg3A : f32 to vector<16xf32>
        %neg3A_202 = arith.subf %neg3A_201, %parallel_loop3A_200#4 : vector<16xf32>
        %add3A_203 = arith.constant 0x4B400000 : f32
        %add3A_204 = vector.broadcast %add3A_203 : f32 to vector<16xf32>
        %add3A_205 = arith.addf %parallel_loop3A_200#1, %add3A_204 : vector<16xf32>
        %sub3A_206 = arith.constant 0x4B400000 : f32
        %sub3A_207 = vector.broadcast %sub3A_206 : f32 to vector<16xf32>
        %sub3A_208 = arith.subf %add3A_205, %sub3A_207 : vector<16xf32>
        %convert_element_type3A = arith.fptosi %sub3A_208 : vector<16xf32> to vector<16xi32>
        %min3A_209 = arith.constant 128 : i32
        %min3A_210 = vector.broadcast %min3A_209 : i32 to vector<16xi32>
        %min3A_211 = arith.minsi %convert_element_type3A, %min3A_210 : vector<16xi32>
        %mul3A_212 = arith.constant 32 : i32
        %mul3A_213 = vector.broadcast %mul3A_212 : i32 to vector<16xi32>
        %mul3A_214 = arith.muli %min3A_211, %mul3A_213 : vector<16xi32>
        %add3A_215 = arith.addi %mul3A_214, %add3A_14 : vector<16xi32>
        tpu.vector_store_idx %arg11[%add3A_215], %sub3A {add = true} : memref<4128xf32, #tpu.memory_space<vmem>>[vector<16xi32>], vector<16xf32>,
        tpu.vector_store_idx %arg12[%add3A_215], %neg3A_202 {add = true} : memref<4128xf32, #tpu.memory_space<vmem>>[vector<16xi32>], vector<16xf32>,
        %sub3A_216 = arith.subf %parallel_loop3A_200#8, %parallel_loop3A_200#9 : vector<16xf32>
        %neg3A_217 = arith.constant 0.000000e+00 : f32
        %neg3A_218 = vector.broadcast %neg3A_217 : f32 to vector<16xf32>
        %neg3A_219 = arith.subf %neg3A_218, %parallel_loop3A_200#10 : vector<16xf32>
        %add3A_220 = arith.constant 0x4B400000 : f32
        %add3A_221 = vector.broadcast %add3A_220 : f32 to vector<16xf32>
        %add3A_222 = arith.addf %parallel_loop3A_200#7, %add3A_221 : vector<16xf32>
        %sub3A_223 = arith.constant 0x4B400000 : f32
        %sub3A_224 = vector.broadcast %sub3A_223 : f32 to vector<16xf32>
        %sub3A_225 = arith.subf %add3A_222, %sub3A_224 : vector<16xf32>
        %convert_element_type3A_226 = arith.fptosi %sub3A_225 : vector<16xf32> to vector<16xi32>
        %min3A_227 = arith.constant 128 : i32
        %min3A_228 = vector.broadcast %min3A_227 : i32 to vector<16xi32>
        %min3A_229 = arith.minsi %convert_element_type3A_226, %min3A_228 : vector<16xi32>
        %mul3A_230 = arith.constant 32 : i32
        %mul3A_231 = vector.broadcast %mul3A_230 : i32 to vector<16xi32>
        %mul3A_232 = arith.muli %min3A_229, %mul3A_231 : vector<16xi32>
        %add3A_233 = arith.addi %mul3A_232, %add3A_17 : vector<16xi32>
        tpu.vector_store_idx %arg11[%add3A_233], %sub3A_216 {add = true} : memref<4128xf32, #tpu.memory_space<vmem>>[vector<16xi32>], vector<16xf32>,
        tpu.vector_store_idx %arg12[%add3A_233], %neg3A_219 {add = true} : memref<4128xf32, #tpu.memory_space<vmem>>[vector<16xi32>], vector<16xf32>,
        %broadcast_in_dim3A_234 = arith.constant 5.000000e-01 : f32
        %broadcast_in_dim3A_235 = vector.broadcast %broadcast_in_dim3A_234 : f32 to vector<16xf32>
        %parallel_loop3A_236 = arith.constant 0 : i32
        %parallel_loop3A_237 = arith.constant 128 : i32
        %parallel_loop3A_238 = arith.constant 1 : i32
        %parallel_loop3A_239:7 = scf.for %parallel_loop3A_240 = %parallel_loop3A_236 to %parallel_loop3A_237 step %parallel_loop3A_238 iter_args(%parallel_loop3A_241 = %broadcast_in_dim3A_19, %parallel_loop3A_242 = %broadcast_in_dim3A_19, %parallel_loop3A_243 = %add3A_185, %parallel_loop3A_244 = %broadcast_in_dim3A_19, %parallel_loop3A_245 = %broadcast_in_dim3A_19, %parallel_loop3A_246 = %add3A_187, %parallel_loop3A_247 = %broadcast_in_dim3A_235) -> (vector<16xf32>, vector<16xf32>, vector<16xi32>, vector<16xf32>, vector<16xf32>, vector<16xi32>, vector<16xf32>)  : i32 {
          %parallel_loop3A_248 = arith.constant 32 : i32
          %parallel_loop3A_249 = arith.muli %parallel_loop3A_240, %parallel_loop3A_248 : i32
          %parallel_loop3A_250 = arith.constant 0 : i32
          %parallel_loop3A_251 = arith.addi %parallel_loop3A_249, %parallel_loop3A_250 : i32
          %parallel_loop3A_252 = arith.index_cast %parallel_loop3A_251 : i32 to index
          %parallel_loop3A_253 = tpu.vector_load %arg11[%parallel_loop3A_252] {strides = array<i32>} : memref<4128xf32, #tpu.memory_space<vmem>>, vector<16xf32>,
          %parallel_loop3A_254 = arith.addf %parallel_loop3A_241, %parallel_loop3A_253 : vector<16xf32>
          %parallel_loop3A_255 = arith.index_cast %parallel_loop3A_251 : i32 to index
          %parallel_loop3A_256 = tpu.vector_load %arg12[%parallel_loop3A_255] {strides = array<i32>} : memref<4128xf32, #tpu.memory_space<vmem>>, vector<16xf32>,
          %parallel_loop3A_257 = arith.addf %parallel_loop3A_242, %parallel_loop3A_256 : vector<16xf32>
          %parallel_loop3A_258 = arith.index_cast %parallel_loop3A_251 : i32 to index
          %parallel_loop3A_259 = tpu.vector_load %arg11[%parallel_loop3A_258] {strides = array<i32>} : memref<4128xf32, #tpu.memory_space<vmem>>, vector<16xf32>,
          tpu.vector_store %arg11[%parallel_loop3A_258], %broadcast_in_dim3A_19 {strides = array<i32>} : memref<4128xf32, #tpu.memory_space<vmem>>, vector<16xf32>,
          %parallel_loop3A_260 = arith.index_cast %parallel_loop3A_251 : i32 to index
          %parallel_loop3A_261 = tpu.vector_load %arg12[%parallel_loop3A_260] {strides = array<i32>} : memref<4128xf32, #tpu.memory_space<vmem>>, vector<16xf32>,
          tpu.vector_store %arg12[%parallel_loop3A_260], %broadcast_in_dim3A_19 {strides = array<i32>} : memref<4128xf32, #tpu.memory_space<vmem>>, vector<16xf32>,
          %parallel_loop3A_262 = arith.mulf %parallel_loop3A_247, %parallel_loop3A_257 : vector<16xf32>
          %parallel_loop3A_263 = arith.addf %parallel_loop3A_254, %parallel_loop3A_262 : vector<16xf32>
          tpu.vector_store_idx %arg7[%parallel_loop3A_243], %parallel_loop3A_263 : memref<16512xf32, #tpu.memory_space<vmem>>[vector<16xi32>], vector<16xf32>,
          %parallel_loop3A_264 = arith.addi %parallel_loop3A_243, %broadcast_in_dim3A_21 : vector<16xi32>
          %parallel_loop3A_265 = arith.constant 32 : i32
          %parallel_loop3A_266 = arith.muli %parallel_loop3A_240, %parallel_loop3A_265 : i32
          %parallel_loop3A_267 = arith.constant 16 : i32
          %parallel_loop3A_268 = arith.addi %parallel_loop3A_266, %parallel_loop3A_267 : i32
          %parallel_loop3A_269 = arith.index_cast %parallel_loop3A_268 : i32 to index
          %parallel_loop3A_270 = tpu.vector_load %arg11[%parallel_loop3A_269] {strides = array<i32>} : memref<4128xf32, #tpu.memory_space<vmem>>, vector<16xf32>,
          %parallel_loop3A_271 = arith.addf %parallel_loop3A_244, %parallel_loop3A_270 : vector<16xf32>
          %parallel_loop3A_272 = arith.index_cast %parallel_loop3A_268 : i32 to index
          %parallel_loop3A_273 = tpu.vector_load %arg12[%parallel_loop3A_272] {strides = array<i32>} : memref<4128xf32, #tpu.memory_space<vmem>>, vector<16xf32>,
          %parallel_loop3A_274 = arith.addf %parallel_loop3A_245, %parallel_loop3A_273 : vector<16xf32>
          %parallel_loop3A_275 = arith.index_cast %parallel_loop3A_268 : i32 to index
          %parallel_loop3A_276 = tpu.vector_load %arg11[%parallel_loop3A_275] {strides = array<i32>} : memref<4128xf32, #tpu.memory_space<vmem>>, vector<16xf32>,
          tpu.vector_store %arg11[%parallel_loop3A_275], %broadcast_in_dim3A_19 {strides = array<i32>} : memref<4128xf32, #tpu.memory_space<vmem>>, vector<16xf32>,
          %parallel_loop3A_277 = arith.index_cast %parallel_loop3A_268 : i32 to index
          %parallel_loop3A_278 = tpu.vector_load %arg12[%parallel_loop3A_277] {strides = array<i32>} : memref<4128xf32, #tpu.memory_space<vmem>>, vector<16xf32>,
          tpu.vector_store %arg12[%parallel_loop3A_277], %broadcast_in_dim3A_19 {strides = array<i32>} : memref<4128xf32, #tpu.memory_space<vmem>>, vector<16xf32>,
          %parallel_loop3A_279 = arith.mulf %parallel_loop3A_247, %parallel_loop3A_274 : vector<16xf32>
          %parallel_loop3A_280 = arith.addf %parallel_loop3A_271, %parallel_loop3A_279 : vector<16xf32>
          tpu.vector_store_idx %arg7[%parallel_loop3A_246], %parallel_loop3A_280 : memref<16512xf32, #tpu.memory_space<vmem>>[vector<16xi32>], vector<16xf32>,
          %parallel_loop3A_281 = arith.addi %parallel_loop3A_246, %broadcast_in_dim3A_21 : vector<16xi32>
          %parallel_loop3A_282 = arith.constant 1.000000e+00 : f32
          %parallel_loop3A_283 = vector.broadcast %parallel_loop3A_282 : f32 to vector<16xf32>
          %parallel_loop3A_284 = arith.addf %parallel_loop3A_247, %parallel_loop3A_283 : vector<16xf32>
          scf.yield %parallel_loop3A_254, %parallel_loop3A_257, %parallel_loop3A_264, %parallel_loop3A_271, %parallel_loop3A_274, %parallel_loop3A_281, %parallel_loop3A_284 : vector<16xf32>, vector<16xf32>, vector<16xi32>, vector<16xf32>, vector<16xf32>, vector<16xi32>, vector<16xf32>
        } {sc.loop_unroll_factor = 4 : i64, sc.parallel_access}
      }
      %scan3A_120 = arith.constant 4 : i32
      %mul3A_121 = arith.constant 2048 : i32
      %mul3A_122 = arith.muli %add3A, %mul3A_121 : i32
      %mul3A_123 = arith.constant 128 : i32
      %mul3A_124 = arith.muli %mul3A_81, %mul3A_123 : i32
      %add3A_125 = arith.addi %mul3A_122, %mul3A_124 : i32
      %mul3A_126 = arith.constant 129 : i32
      %mul3A_127 = arith.muli %add3A_125, %mul3A_126 : i32
      %dma_start3A_128 = tpu.memref_slice %arg4[%mul3A_127] : memref<8454144xf32, #tpu.memory_space<hbm>> -> memref<16512xf32, #tpu.memory_space<hbm>>
      %dma_start3A_129 = tpu.memref_slice %arg4[%mul3A_127] : memref<8454144xf32, #tpu.memory_space<hbm>> -> memref<16512xf32, #tpu.memory_space<hbm>>
      tpu.enqueue_dma source(%arg7 : memref<16512xf32, #tpu.memory_space<vmem>>) target(%dma_start3A_129 : memref<16512xf32, #tpu.memory_space<hbm>>) target_semaphore(%arg15 : memref<!tpu.dma_semaphore, #tpu.memory_space<semaphore_mem>>)
      %add3A_130 = arith.constant 1 : i32
      %add3A_131 = arith.addi %mul3A_81, %add3A_130 : i32
      %dma_wait3A_132 = arith.constant 0 : i32
      %dma_wait3A_133 = tpu.memref_slice %arg2[%dma_wait3A_132] : memref<8454144xf32, #tpu.memory_space<hbm>> -> memref<16512xf32, #tpu.memory_space<hbm>>
      %dma_wait3A_134 = arith.constant 0 : i32
      %dma_wait3A_135 = tpu.memref_slice %arg2[%dma_wait3A_134] : memref<8454144xf32, #tpu.memory_space<hbm>> -> memref<16512xf32, #tpu.memory_space<hbm>>
      tpu.wait_dma2 semaphore(%arg14 : memref<!tpu.dma_semaphore, #tpu.memory_space<semaphore_mem>>) src(%dma_wait3A_135 : memref<16512xf32, #tpu.memory_space<hbm>>) dst(%arg8 : memref<16512xf32, #tpu.memory_space<vmem>>)
      %dma_wait3A_136 = arith.constant 0 : i32
      %dma_wait3A_137 = tpu.memref_slice %arg3[%dma_wait3A_136] : memref<8454144xf32, #tpu.memory_space<hbm>> -> memref<16512xf32, #tpu.memory_space<hbm>>
      %dma_wait3A_138 = arith.constant 0 : i32
      %dma_wait3A_139 = tpu.memref_slice %arg3[%dma_wait3A_138] : memref<8454144xf32, #tpu.memory_space<hbm>> -> memref<16512xf32, #tpu.memory_space<hbm>>
      tpu.wait_dma2 semaphore(%arg14 : memref<!tpu.dma_semaphore, #tpu.memory_space<semaphore_mem>>) src(%dma_wait3A_139 : memref<16512xf32, #tpu.memory_space<hbm>>) dst(%arg9 : memref<16512xf32, #tpu.memory_space<vmem>>)
      %add3A_140 = arith.constant 1 : i32
      %add3A_141 = arith.addi %add3A_131, %add3A_140 : i32
      %min3A_142 = arith.constant 15 : i32
      %min3A_143 = arith.minsi %add3A_141, %min3A_142 : i32
      %mul3A_144 = arith.constant 2048 : i32
      %mul3A_145 = arith.muli %add3A, %mul3A_144 : i32
      %mul3A_146 = arith.constant 128 : i32
      %mul3A_147 = arith.muli %min3A_143, %mul3A_146 : i32
      %add3A_148 = arith.addi %mul3A_145, %mul3A_147 : i32
      %mul3A_149 = arith.constant 129 : i32
      %mul3A_150 = arith.muli %add3A_148, %mul3A_149 : i32
      %dma_start3A_151 = tpu.memref_slice %arg2[%mul3A_150] : memref<8454144xf32, #tpu.memory_space<hbm>> -> memref<16512xf32, #tpu.memory_space<hbm>>
      %dma_start3A_152 = tpu.memref_slice %arg2[%mul3A_150] : memref<8454144xf32, #tpu.memory_space<hbm>> -> memref<16512xf32, #tpu.memory_space<hbm>>
      tpu.enqueue_dma source(%dma_start3A_152 : memref<16512xf32, #tpu.memory_space<hbm>>) target(%arg5 : memref<16512xf32, #tpu.memory_space<vmem>>) target_semaphore(%arg13 : memref<!tpu.dma_semaphore, #tpu.memory_space<semaphore_mem>>)
      %mul3A_153 = arith.constant 2048 : i32
      %mul3A_154 = arith.muli %add3A, %mul3A_153 : i32
      %mul3A_155 = arith.constant 128 : i32
      %mul3A_156 = arith.muli %min3A_143, %mul3A_155 : i32
      %add3A_157 = arith.addi %mul3A_154, %mul3A_156 : i32
      %mul3A_158 = arith.constant 129 : i32
      %mul3A_159 = arith.muli %add3A_157, %mul3A_158 : i32
      %dma_start3A_160 = tpu.memref_slice %arg3[%mul3A_159] : memref<8454144xf32, #tpu.memory_space<hbm>> -> memref<16512xf32, #tpu.memory_space<hbm>>
      %dma_start3A_161 = tpu.memref_slice %arg3[%mul3A_159] : memref<8454144xf32, #tpu.memory_space<hbm>> -> memref<16512xf32, #tpu.memory_space<hbm>>
      tpu.enqueue_dma source(%dma_start3A_161 : memref<16512xf32, #tpu.memory_space<hbm>>) target(%arg6 : memref<16512xf32, #tpu.memory_space<vmem>>) target_semaphore(%arg13 : memref<!tpu.dma_semaphore, #tpu.memory_space<semaphore_mem>>)
      %dma_wait3A_162 = arith.constant 0 : i32
      %dma_wait3A_163 = tpu.memref_slice %arg4[%dma_wait3A_162] : memref<8454144xf32, #tpu.memory_space<hbm>> -> memref<16512xf32, #tpu.memory_space<hbm>>
      %dma_wait3A_164 = arith.constant 0 : i32
      %dma_wait3A_165 = tpu.memref_slice %arg4[%dma_wait3A_164] : memref<8454144xf32, #tpu.memory_space<hbm>> -> memref<16512xf32, #tpu.memory_space<hbm>>
      tpu.wait_dma2 semaphore(%arg16 : memref<!tpu.dma_semaphore, #tpu.memory_space<semaphore_mem>>) src(%arg10 : memref<16512xf32, #tpu.memory_space<vmem>>) dst(%dma_wait3A_165 : memref<16512xf32, #tpu.memory_space<hbm>>)
      %scan3A_166 = arith.constant 0 : i32
      %scan3A_167 = arith.constant 0 : i32
      %scan3A_168 = arith.constant 4 : i32
      %scan3A_169 = arith.addi %scan3A_167, %scan3A_168 : i32
      %scan3A_170 = arith.constant 1 : i32
      scf.for %scan3A_181 = %scan3A_167 to %scan3A_169 step %scan3A_170  : i32 {
        %mul3A_182 = arith.constant 4128 : i32
        %mul3A_183 = arith.muli %scan3A_181, %mul3A_182 : i32
        %add3A_184 = vector.broadcast %mul3A_183 : i32 to vector<16xi32>
        %add3A_185 = arith.addi %add3A_6, %add3A_184 : vector<16xi32>
        %add3A_186 = vector.broadcast %mul3A_183 : i32 to vector<16xi32>
        %add3A_187 = arith.addi %add3A_12, %add3A_186 : vector<16xi32>
        %parallel_loop3A = arith.constant 0 : i32
        %parallel_loop3A_188 = arith.constant 128 : i32
        %parallel_loop3A_189 = arith.constant 1 : i32
        %parallel_loop3A_190:4 = scf.for %parallel_loop3A_240 = %parallel_loop3A to %parallel_loop3A_188 step %parallel_loop3A_189 iter_args(%parallel_loop3A_241 = %broadcast_in_dim3A_19, %parallel_loop3A_242 = %add3A_185, %parallel_loop3A_243 = %broadcast_in_dim3A_19, %parallel_loop3A_244 = %add3A_187) -> (vector<16xf32>, vector<16xi32>, vector<16xf32>, vector<16xi32>)  : i32 {
          %parallel_loop3A_245 = tpu.vector_load_idx %arg9[%parallel_loop3A_242] : memref<16512xf32, #tpu.memory_space<vmem>>[vector<16xi32>], vector<16xf32>,
          %parallel_loop3A_246 = arith.addf %parallel_loop3A_241, %parallel_loop3A_245 : vector<16xf32>
          %parallel_loop3A_247 = arith.addi %parallel_loop3A_242, %broadcast_in_dim3A_21 : vector<16xi32>
          %parallel_loop3A_248 = tpu.vector_load_idx %arg9[%parallel_loop3A_244] : memref<16512xf32, #tpu.memory_space<vmem>>[vector<16xi32>], vector<16xf32>,
          %parallel_loop3A_249 = arith.addf %parallel_loop3A_243, %parallel_loop3A_248 : vector<16xf32>
          %parallel_loop3A_250 = arith.addi %parallel_loop3A_244, %broadcast_in_dim3A_21 : vector<16xi32>
          scf.yield %parallel_loop3A_246, %parallel_loop3A_247, %parallel_loop3A_249, %parallel_loop3A_250 : vector<16xf32>, vector<16xi32>, vector<16xf32>, vector<16xi32>
        } {sc.loop_unroll_factor = 4 : i64, sc.parallel_access}
        %div3A = arith.constant 1.280000e+02 : f32
        %div3A_191 = vector.broadcast %div3A : f32 to vector<16xf32>
        %div3A_192 = arith.divf %div3A_191, %parallel_loop3A_190#0 : vector<16xf32>
        %div3A_193 = arith.constant 1.280000e+02 : f32
        %div3A_194 = vector.broadcast %div3A_193 : f32 to vector<16xf32>
        %div3A_195 = arith.divf %div3A_194, %parallel_loop3A_190#2 : vector<16xf32>
        %gather3A = tpu.vector_load_idx %arg8[%add3A_185] : memref<16512xf32, #tpu.memory_space<vmem>>[vector<16xi32>], vector<16xf32>,
        %gather3A_196 = tpu.vector_load_idx %arg8[%add3A_187] : memref<16512xf32, #tpu.memory_space<vmem>>[vector<16xi32>], vector<16xf32>,
        %parallel_loop3A_197 = arith.constant 0 : i32
        %parallel_loop3A_198 = arith.constant 128 : i32
        %parallel_loop3A_199 = arith.constant 1 : i32
        %parallel_loop3A_200:12 = scf.for %parallel_loop3A_240 = %parallel_loop3A_197 to %parallel_loop3A_198 step %parallel_loop3A_199 iter_args(%parallel_loop3A_241 = %broadcast_in_dim3A_19, %parallel_loop3A_242 = %broadcast_in_dim3A_19, %parallel_loop3A_243 = %gather3A, %parallel_loop3A_244 = %broadcast_in_dim3A_19, %parallel_loop3A_245 = %broadcast_in_dim3A_19, %parallel_loop3A_246 = %add3A_185, %parallel_loop3A_247 = %broadcast_in_dim3A_19, %parallel_loop3A_248 = %broadcast_in_dim3A_19, %parallel_loop3A_249 = %gather3A_196, %parallel_loop3A_250 = %broadcast_in_dim3A_19, %parallel_loop3A_251 = %broadcast_in_dim3A_19, %parallel_loop3A_252 = %add3A_187) -> (vector<16xf32>, vector<16xf32>, vector<16xf32>, vector<16xf32>, vector<16xf32>, vector<16xi32>, vector<16xf32>, vector<16xf32>, vector<16xf32>, vector<16xf32>, vector<16xf32>, vector<16xi32>)  : i32 {
          %parallel_loop3A_253 = tpu.vector_load_idx %arg9[%parallel_loop3A_246] : memref<16512xf32, #tpu.memory_space<vmem>>[vector<16xi32>], vector<16xf32>,
          %parallel_loop3A_254 = arith.addf %parallel_loop3A_241, %parallel_loop3A_253 : vector<16xf32>
          %parallel_loop3A_255 = arith.mulf %parallel_loop3A_254, %div3A_192 : vector<16xf32>
          %parallel_loop3A_256 = arith.addi %parallel_loop3A_246, %broadcast_in_dim3A_21 : vector<16xi32>
          %parallel_loop3A_257 = tpu.vector_load_idx %arg8[%parallel_loop3A_256] : memref<16512xf32, #tpu.memory_space<vmem>>[vector<16xi32>], vector<16xf32>,
          %parallel_loop3A_258 = arith.subf %parallel_loop3A_255, %parallel_loop3A_242 : vector<16xf32>
          %parallel_loop3A_259 = arith.constant 1.280000e-03 : f32
          %parallel_loop3A_260 = vector.broadcast %parallel_loop3A_259 : f32 to vector<16xf32>
          %parallel_loop3A_261 = arith.cmpf olt, %parallel_loop3A_258, %parallel_loop3A_260 : vector<16xf32>
          %parallel_loop3A_262 = arith.constant 1.280000e+02 : f32
          %parallel_loop3A_263 = vector.broadcast %parallel_loop3A_262 : f32 to vector<16xf32>
          %parallel_loop3A_264 = arith.select %parallel_loop3A_261, %parallel_loop3A_263, %parallel_loop3A_258 : vector<16xi1>, vector<16xf32>
          %parallel_loop3A_265 = arith.subf %parallel_loop3A_257, %parallel_loop3A_243 : vector<16xf32>
          %parallel_loop3A_266 = arith.divf %parallel_loop3A_265, %parallel_loop3A_264 : vector<16xf32>
          %parallel_loop3A_267 = arith.mulf %parallel_loop3A_242, %parallel_loop3A_266 : vector<16xf32>
          %parallel_loop3A_268 = arith.subf %parallel_loop3A_243, %parallel_loop3A_267 : vector<16xf32>
          %parallel_loop3A_269 = arith.subf %parallel_loop3A_268, %parallel_loop3A_244 : vector<16xf32>
          %parallel_loop3A_270 = arith.subf %parallel_loop3A_266, %parallel_loop3A_245 : vector<16xf32>
          %parallel_loop3A_271 = arith.constant 0x4B400000 : f32
          %parallel_loop3A_272 = vector.broadcast %parallel_loop3A_271 : f32 to vector<16xf32>
          %parallel_loop3A_273 = arith.addf %parallel_loop3A_242, %parallel_loop3A_272 : vector<16xf32>
          %parallel_loop3A_274 = arith.constant 0x4B400000 : f32
          %parallel_loop3A_275 = vector.broadcast %parallel_loop3A_274 : f32 to vector<16xf32>
          %parallel_loop3A_276 = arith.subf %parallel_loop3A_273, %parallel_loop3A_275 : vector<16xf32>
          %parallel_loop3A_277 = arith.fptosi %parallel_loop3A_276 : vector<16xf32> to vector<16xi32>
          %parallel_loop3A_278 = arith.constant 128 : i32
          %parallel_loop3A_279 = vector.broadcast %parallel_loop3A_278 : i32 to vector<16xi32>
          %parallel_loop3A_280 = arith.minsi %parallel_loop3A_277, %parallel_loop3A_279 : vector<16xi32>
          %parallel_loop3A_281 = arith.constant 32 : i32
          %parallel_loop3A_282 = vector.broadcast %parallel_loop3A_281 : i32 to vector<16xi32>
          %parallel_loop3A_283 = arith.muli %parallel_loop3A_280, %parallel_loop3A_282 : vector<16xi32>
          %parallel_loop3A_284 = arith.addi %parallel_loop3A_283, %add3A_14 : vector<16xi32>
          tpu.vector_store_idx %arg11[%parallel_loop3A_284], %parallel_loop3A_269 {add = true} : memref<4128xf32, #tpu.memory_space<vmem>>[vector<16xi32>], vector<16xf32>,
          tpu.vector_store_idx %arg12[%parallel_loop3A_284], %parallel_loop3A_270 {add = true} : memref<4128xf32, #tpu.memory_space<vmem>>[vector<16xi32>], vector<16xf32>,
          %parallel_loop3A_285 = tpu.vector_load_idx %arg9[%parallel_loop3A_252] : memref<16512xf32, #tpu.memory_space<vmem>>[vector<16xi32>], vector<16xf32>,
          %parallel_loop3A_286 = arith.addf %parallel_loop3A_247, %parallel_loop3A_285 : vector<16xf32>
          %parallel_loop3A_287 = arith.mulf %parallel_loop3A_286, %div3A_195 : vector<16xf32>
          %parallel_loop3A_288 = arith.addi %parallel_loop3A_252, %broadcast_in_dim3A_21 : vector<16xi32>
          %parallel_loop3A_289 = tpu.vector_load_idx %arg8[%parallel_loop3A_288] : memref<16512xf32, #tpu.memory_space<vmem>>[vector<16xi32>], vector<16xf32>,
          %parallel_loop3A_290 = arith.subf %parallel_loop3A_287, %parallel_loop3A_248 : vector<16xf32>
          %parallel_loop3A_291 = arith.constant 1.280000e-03 : f32
          %parallel_loop3A_292 = vector.broadcast %parallel_loop3A_291 : f32 to vector<16xf32>
          %parallel_loop3A_293 = arith.cmpf olt, %parallel_loop3A_290, %parallel_loop3A_292 : vector<16xf32>
          %parallel_loop3A_294 = arith.constant 1.280000e+02 : f32
          %parallel_loop3A_295 = vector.broadcast %parallel_loop3A_294 : f32 to vector<16xf32>
          %parallel_loop3A_296 = arith.select %parallel_loop3A_293, %parallel_loop3A_295, %parallel_loop3A_290 : vector<16xi1>, vector<16xf32>
          %parallel_loop3A_297 = arith.subf %parallel_loop3A_289, %parallel_loop3A_249 : vector<16xf32>
          %parallel_loop3A_298 = arith.divf %parallel_loop3A_297, %parallel_loop3A_296 : vector<16xf32>
          %parallel_loop3A_299 = arith.mulf %parallel_loop3A_248, %parallel_loop3A_298 : vector<16xf32>
          %parallel_loop3A_300 = arith.subf %parallel_loop3A_249, %parallel_loop3A_299 : vector<16xf32>
          %parallel_loop3A_301 = arith.subf %parallel_loop3A_300, %parallel_loop3A_250 : vector<16xf32>
          %parallel_loop3A_302 = arith.subf %parallel_loop3A_298, %parallel_loop3A_251 : vector<16xf32>
          %parallel_loop3A_303 = arith.constant 0x4B400000 : f32
          %parallel_loop3A_304 = vector.broadcast %parallel_loop3A_303 : f32 to vector<16xf32>
          %parallel_loop3A_305 = arith.addf %parallel_loop3A_248, %parallel_loop3A_304 : vector<16xf32>
          %parallel_loop3A_306 = arith.constant 0x4B400000 : f32
          %parallel_loop3A_307 = vector.broadcast %parallel_loop3A_306 : f32 to vector<16xf32>
          %parallel_loop3A_308 = arith.subf %parallel_loop3A_305, %parallel_loop3A_307 : vector<16xf32>
          %parallel_loop3A_309 = arith.fptosi %parallel_loop3A_308 : vector<16xf32> to vector<16xi32>
          %parallel_loop3A_310 = arith.constant 128 : i32
          %parallel_loop3A_311 = vector.broadcast %parallel_loop3A_310 : i32 to vector<16xi32>
          %parallel_loop3A_312 = arith.minsi %parallel_loop3A_309, %parallel_loop3A_311 : vector<16xi32>
          %parallel_loop3A_313 = arith.constant 32 : i32
          %parallel_loop3A_314 = vector.broadcast %parallel_loop3A_313 : i32 to vector<16xi32>
          %parallel_loop3A_315 = arith.muli %parallel_loop3A_312, %parallel_loop3A_314 : vector<16xi32>
          %parallel_loop3A_316 = arith.addi %parallel_loop3A_315, %add3A_17 : vector<16xi32>
          tpu.vector_store_idx %arg11[%parallel_loop3A_316], %parallel_loop3A_301 {add = true} : memref<4128xf32, #tpu.memory_space<vmem>>[vector<16xi32>], vector<16xf32>,
          tpu.vector_store_idx %arg12[%parallel_loop3A_316], %parallel_loop3A_302 {add = true} : memref<4128xf32, #tpu.memory_space<vmem>>[vector<16xi32>], vector<16xf32>,
          scf.yield %parallel_loop3A_254, %parallel_loop3A_255, %parallel_loop3A_257, %parallel_loop3A_268, %parallel_loop3A_266, %parallel_loop3A_256, %parallel_loop3A_286, %parallel_loop3A_287, %parallel_loop3A_289, %parallel_loop3A_300, %parallel_loop3A_298, %parallel_loop3A_288 : vector<16xf32>, vector<16xf32>, vector<16xf32>, vector<16xf32>, vector<16xf32>, vector<16xi32>, vector<16xf32>, vector<16xf32>, vector<16xf32>, vector<16xf32>, vector<16xf32>, vector<16xi32>
        } {sc.loop_unroll_factor = 4 : i64, sc.parallel_access}
        %sub3A = arith.subf %parallel_loop3A_200#2, %parallel_loop3A_200#3 : vector<16xf32>
        %neg3A = arith.constant 0.000000e+00 : f32
        %neg3A_201 = vector.broadcast %neg3A : f32 to vector<16xf32>
        %neg3A_202 = arith.subf %neg3A_201, %parallel_loop3A_200#4 : vector<16xf32>
        %add3A_203 = arith.constant 0x4B400000 : f32
        %add3A_204 = vector.broadcast %add3A_203 : f32 to vector<16xf32>
        %add3A_205 = arith.addf %parallel_loop3A_200#1, %add3A_204 : vector<16xf32>
        %sub3A_206 = arith.constant 0x4B400000 : f32
        %sub3A_207 = vector.broadcast %sub3A_206 : f32 to vector<16xf32>
        %sub3A_208 = arith.subf %add3A_205, %sub3A_207 : vector<16xf32>
        %convert_element_type3A = arith.fptosi %sub3A_208 : vector<16xf32> to vector<16xi32>
        %min3A_209 = arith.constant 128 : i32
        %min3A_210 = vector.broadcast %min3A_209 : i32 to vector<16xi32>
        %min3A_211 = arith.minsi %convert_element_type3A, %min3A_210 : vector<16xi32>
        %mul3A_212 = arith.constant 32 : i32
        %mul3A_213 = vector.broadcast %mul3A_212 : i32 to vector<16xi32>
        %mul3A_214 = arith.muli %min3A_211, %mul3A_213 : vector<16xi32>
        %add3A_215 = arith.addi %mul3A_214, %add3A_14 : vector<16xi32>
        tpu.vector_store_idx %arg11[%add3A_215], %sub3A {add = true} : memref<4128xf32, #tpu.memory_space<vmem>>[vector<16xi32>], vector<16xf32>,
        tpu.vector_store_idx %arg12[%add3A_215], %neg3A_202 {add = true} : memref<4128xf32, #tpu.memory_space<vmem>>[vector<16xi32>], vector<16xf32>,
        %sub3A_216 = arith.subf %parallel_loop3A_200#8, %parallel_loop3A_200#9 : vector<16xf32>
        %neg3A_217 = arith.constant 0.000000e+00 : f32
        %neg3A_218 = vector.broadcast %neg3A_217 : f32 to vector<16xf32>
        %neg3A_219 = arith.subf %neg3A_218, %parallel_loop3A_200#10 : vector<16xf32>
        %add3A_220 = arith.constant 0x4B400000 : f32
        %add3A_221 = vector.broadcast %add3A_220 : f32 to vector<16xf32>
        %add3A_222 = arith.addf %parallel_loop3A_200#7, %add3A_221 : vector<16xf32>
        %sub3A_223 = arith.constant 0x4B400000 : f32
        %sub3A_224 = vector.broadcast %sub3A_223 : f32 to vector<16xf32>
        %sub3A_225 = arith.subf %add3A_222, %sub3A_224 : vector<16xf32>
        %convert_element_type3A_226 = arith.fptosi %sub3A_225 : vector<16xf32> to vector<16xi32>
        %min3A_227 = arith.constant 128 : i32
        %min3A_228 = vector.broadcast %min3A_227 : i32 to vector<16xi32>
        %min3A_229 = arith.minsi %convert_element_type3A_226, %min3A_228 : vector<16xi32>
        %mul3A_230 = arith.constant 32 : i32
        %mul3A_231 = vector.broadcast %mul3A_230 : i32 to vector<16xi32>
        %mul3A_232 = arith.muli %min3A_229, %mul3A_231 : vector<16xi32>
        %add3A_233 = arith.addi %mul3A_232, %add3A_17 : vector<16xi32>
        tpu.vector_store_idx %arg11[%add3A_233], %sub3A_216 {add = true} : memref<4128xf32, #tpu.memory_space<vmem>>[vector<16xi32>], vector<16xf32>,
        tpu.vector_store_idx %arg12[%add3A_233], %neg3A_219 {add = true} : memref<4128xf32, #tpu.memory_space<vmem>>[vector<16xi32>], vector<16xf32>,
        %broadcast_in_dim3A_234 = arith.constant 5.000000e-01 : f32
        %broadcast_in_dim3A_235 = vector.broadcast %broadcast_in_dim3A_234 : f32 to vector<16xf32>
        %parallel_loop3A_236 = arith.constant 0 : i32
        %parallel_loop3A_237 = arith.constant 128 : i32
        %parallel_loop3A_238 = arith.constant 1 : i32
        %parallel_loop3A_239:7 = scf.for %parallel_loop3A_240 = %parallel_loop3A_236 to %parallel_loop3A_237 step %parallel_loop3A_238 iter_args(%parallel_loop3A_241 = %broadcast_in_dim3A_19, %parallel_loop3A_242 = %broadcast_in_dim3A_19, %parallel_loop3A_243 = %add3A_185, %parallel_loop3A_244 = %broadcast_in_dim3A_19, %parallel_loop3A_245 = %broadcast_in_dim3A_19, %parallel_loop3A_246 = %add3A_187, %parallel_loop3A_247 = %broadcast_in_dim3A_235) -> (vector<16xf32>, vector<16xf32>, vector<16xi32>, vector<16xf32>, vector<16xf32>, vector<16xi32>, vector<16xf32>)  : i32 {
          %parallel_loop3A_248 = arith.constant 32 : i32
          %parallel_loop3A_249 = arith.muli %parallel_loop3A_240, %parallel_loop3A_248 : i32
          %parallel_loop3A_250 = arith.constant 0 : i32
          %parallel_loop3A_251 = arith.addi %parallel_loop3A_249, %parallel_loop3A_250 : i32
          %parallel_loop3A_252 = arith.index_cast %parallel_loop3A_251 : i32 to index
          %parallel_loop3A_253 = tpu.vector_load %arg11[%parallel_loop3A_252] {strides = array<i32>} : memref<4128xf32, #tpu.memory_space<vmem>>, vector<16xf32>,
          %parallel_loop3A_254 = arith.addf %parallel_loop3A_241, %parallel_loop3A_253 : vector<16xf32>
          %parallel_loop3A_255 = arith.index_cast %parallel_loop3A_251 : i32 to index
          %parallel_loop3A_256 = tpu.vector_load %arg12[%parallel_loop3A_255] {strides = array<i32>} : memref<4128xf32, #tpu.memory_space<vmem>>, vector<16xf32>,
          %parallel_loop3A_257 = arith.addf %parallel_loop3A_242, %parallel_loop3A_256 : vector<16xf32>
          %parallel_loop3A_258 = arith.index_cast %parallel_loop3A_251 : i32 to index
          %parallel_loop3A_259 = tpu.vector_load %arg11[%parallel_loop3A_258] {strides = array<i32>} : memref<4128xf32, #tpu.memory_space<vmem>>, vector<16xf32>,
          tpu.vector_store %arg11[%parallel_loop3A_258], %broadcast_in_dim3A_19 {strides = array<i32>} : memref<4128xf32, #tpu.memory_space<vmem>>, vector<16xf32>,
          %parallel_loop3A_260 = arith.index_cast %parallel_loop3A_251 : i32 to index
          %parallel_loop3A_261 = tpu.vector_load %arg12[%parallel_loop3A_260] {strides = array<i32>} : memref<4128xf32, #tpu.memory_space<vmem>>, vector<16xf32>,
          tpu.vector_store %arg12[%parallel_loop3A_260], %broadcast_in_dim3A_19 {strides = array<i32>} : memref<4128xf32, #tpu.memory_space<vmem>>, vector<16xf32>,
          %parallel_loop3A_262 = arith.mulf %parallel_loop3A_247, %parallel_loop3A_257 : vector<16xf32>
          %parallel_loop3A_263 = arith.addf %parallel_loop3A_254, %parallel_loop3A_262 : vector<16xf32>
          tpu.vector_store_idx %arg10[%parallel_loop3A_243], %parallel_loop3A_263 : memref<16512xf32, #tpu.memory_space<vmem>>[vector<16xi32>], vector<16xf32>,
          %parallel_loop3A_264 = arith.addi %parallel_loop3A_243, %broadcast_in_dim3A_21 : vector<16xi32>
          %parallel_loop3A_265 = arith.constant 32 : i32
          %parallel_loop3A_266 = arith.muli %parallel_loop3A_240, %parallel_loop3A_265 : i32
          %parallel_loop3A_267 = arith.constant 16 : i32
          %parallel_loop3A_268 = arith.addi %parallel_loop3A_266, %parallel_loop3A_267 : i32
          %parallel_loop3A_269 = arith.index_cast %parallel_loop3A_268 : i32 to index
          %parallel_loop3A_270 = tpu.vector_load %arg11[%parallel_loop3A_269] {strides = array<i32>} : memref<4128xf32, #tpu.memory_space<vmem>>, vector<16xf32>,
          %parallel_loop3A_271 = arith.addf %parallel_loop3A_244, %parallel_loop3A_270 : vector<16xf32>
          %parallel_loop3A_272 = arith.index_cast %parallel_loop3A_268 : i32 to index
          %parallel_loop3A_273 = tpu.vector_load %arg12[%parallel_loop3A_272] {strides = array<i32>} : memref<4128xf32, #tpu.memory_space<vmem>>, vector<16xf32>,
          %parallel_loop3A_274 = arith.addf %parallel_loop3A_245, %parallel_loop3A_273 : vector<16xf32>
          %parallel_loop3A_275 = arith.index_cast %parallel_loop3A_268 : i32 to index
          %parallel_loop3A_276 = tpu.vector_load %arg11[%parallel_loop3A_275] {strides = array<i32>} : memref<4128xf32, #tpu.memory_space<vmem>>, vector<16xf32>,
          tpu.vector_store %arg11[%parallel_loop3A_275], %broadcast_in_dim3A_19 {strides = array<i32>} : memref<4128xf32, #tpu.memory_space<vmem>>, vector<16xf32>,
          %parallel_loop3A_277 = arith.index_cast %parallel_loop3A_268 : i32 to index
          %parallel_loop3A_278 = tpu.vector_load %arg12[%parallel_loop3A_277] {strides = array<i32>} : memref<4128xf32, #tpu.memory_space<vmem>>, vector<16xf32>,
          tpu.vector_store %arg12[%parallel_loop3A_277], %broadcast_in_dim3A_19 {strides = array<i32>} : memref<4128xf32, #tpu.memory_space<vmem>>, vector<16xf32>,
          %parallel_loop3A_279 = arith.mulf %parallel_loop3A_247, %parallel_loop3A_274 : vector<16xf32>
          %parallel_loop3A_280 = arith.addf %parallel_loop3A_271, %parallel_loop3A_279 : vector<16xf32>
          tpu.vector_store_idx %arg10[%parallel_loop3A_246], %parallel_loop3A_280 : memref<16512xf32, #tpu.memory_space<vmem>>[vector<16xi32>], vector<16xf32>,
          %parallel_loop3A_281 = arith.addi %parallel_loop3A_246, %broadcast_in_dim3A_21 : vector<16xi32>
          %parallel_loop3A_282 = arith.constant 1.000000e+00 : f32
          %parallel_loop3A_283 = vector.broadcast %parallel_loop3A_282 : f32 to vector<16xf32>
          %parallel_loop3A_284 = arith.addf %parallel_loop3A_247, %parallel_loop3A_283 : vector<16xf32>
          scf.yield %parallel_loop3A_254, %parallel_loop3A_257, %parallel_loop3A_264, %parallel_loop3A_271, %parallel_loop3A_274, %parallel_loop3A_281, %parallel_loop3A_284 : vector<16xf32>, vector<16xf32>, vector<16xi32>, vector<16xf32>, vector<16xf32>, vector<16xi32>, vector<16xf32>
        } {sc.loop_unroll_factor = 4 : i64, sc.parallel_access}
      }
      %scan3A_171 = arith.constant 4 : i32
      %mul3A_172 = arith.constant 2048 : i32
      %mul3A_173 = arith.muli %add3A, %mul3A_172 : i32
      %mul3A_174 = arith.constant 128 : i32
      %mul3A_175 = arith.muli %add3A_131, %mul3A_174 : i32
      %add3A_176 = arith.addi %mul3A_173, %mul3A_175 : i32
      %mul3A_177 = arith.constant 129 : i32
      %mul3A_178 = arith.muli %add3A_176, %mul3A_177 : i32
      %dma_start3A_179 = tpu.memref_slice %arg4[%mul3A_178] : memref<8454144xf32, #tpu.memory_space<hbm>> -> memref<16512xf32, #tpu.memory_space<hbm>>
      %dma_start3A_180 = tpu.memref_slice %arg4[%mul3A_178] : memref<8454144xf32, #tpu.memory_space<hbm>> -> memref<16512xf32, #tpu.memory_space<hbm>>
      tpu.enqueue_dma source(%arg10 : memref<16512xf32, #tpu.memory_space<vmem>>) target(%dma_start3A_180 : memref<16512xf32, #tpu.memory_space<hbm>>) target_semaphore(%arg16 : memref<!tpu.dma_semaphore, #tpu.memory_space<semaphore_mem>>)
    }
    %scan3A_63 = arith.constant 8 : i32
    %dma_wait3A = arith.constant 0 : i32
    %dma_wait3A_64 = tpu.memref_slice %arg2[%dma_wait3A] : memref<8454144xf32, #tpu.memory_space<hbm>> -> memref<16512xf32, #tpu.memory_space<hbm>>
    %dma_wait3A_65 = arith.constant 0 : i32
    %dma_wait3A_66 = tpu.memref_slice %arg2[%dma_wait3A_65] : memref<8454144xf32, #tpu.memory_space<hbm>> -> memref<16512xf32, #tpu.memory_space<hbm>>
    tpu.wait_dma2 semaphore(%arg13 : memref<!tpu.dma_semaphore, #tpu.memory_space<semaphore_mem>>) src(%dma_wait3A_66 : memref<16512xf32, #tpu.memory_space<hbm>>) dst(%arg5 : memref<16512xf32, #tpu.memory_space<vmem>>)
    %dma_wait3A_67 = arith.constant 0 : i32
    %dma_wait3A_68 = tpu.memref_slice %arg3[%dma_wait3A_67] : memref<8454144xf32, #tpu.memory_space<hbm>> -> memref<16512xf32, #tpu.memory_space<hbm>>
    %dma_wait3A_69 = arith.constant 0 : i32
    %dma_wait3A_70 = tpu.memref_slice %arg3[%dma_wait3A_69] : memref<8454144xf32, #tpu.memory_space<hbm>> -> memref<16512xf32, #tpu.memory_space<hbm>>
    tpu.wait_dma2 semaphore(%arg13 : memref<!tpu.dma_semaphore, #tpu.memory_space<semaphore_mem>>) src(%dma_wait3A_70 : memref<16512xf32, #tpu.memory_space<hbm>>) dst(%arg6 : memref<16512xf32, #tpu.memory_space<vmem>>)
    %dma_wait3A_71 = arith.constant 0 : i32
    %dma_wait3A_72 = tpu.memref_slice %arg4[%dma_wait3A_71] : memref<8454144xf32, #tpu.memory_space<hbm>> -> memref<16512xf32, #tpu.memory_space<hbm>>
    %dma_wait3A_73 = arith.constant 0 : i32
    %dma_wait3A_74 = tpu.memref_slice %arg4[%dma_wait3A_73] : memref<8454144xf32, #tpu.memory_space<hbm>> -> memref<16512xf32, #tpu.memory_space<hbm>>
    tpu.wait_dma2 semaphore(%arg15 : memref<!tpu.dma_semaphore, #tpu.memory_space<semaphore_mem>>) src(%arg7 : memref<16512xf32, #tpu.memory_space<vmem>>) dst(%dma_wait3A_74 : memref<16512xf32, #tpu.memory_space<hbm>>)
    %dma_wait3A_75 = arith.constant 0 : i32
    %dma_wait3A_76 = tpu.memref_slice %arg4[%dma_wait3A_75] : memref<8454144xf32, #tpu.memory_space<hbm>> -> memref<16512xf32, #tpu.memory_space<hbm>>
    %dma_wait3A_77 = arith.constant 0 : i32
    %dma_wait3A_78 = tpu.memref_slice %arg4[%dma_wait3A_77] : memref<8454144xf32, #tpu.memory_space<hbm>> -> memref<16512xf32, #tpu.memory_space<hbm>>
    tpu.wait_dma2 semaphore(%arg16 : memref<!tpu.dma_semaphore, #tpu.memory_space<semaphore_mem>>) src(%arg10 : memref<16512xf32, #tpu.memory_space<vmem>>) dst(%dma_wait3A_78 : memref<16512xf32, #tpu.memory_space<hbm>>)
    return
  }
}

</mosaic_0001>

<sc_bundles>
// kernel: _run.3.cloned.1.call-start
scs
__scs_entry_jumppad:
0x0: {  	(pc) =	sbr.rel $0x88, $3  }
0x1: {  	(tag) =	ssettag $0x0;
	lr =	simm.s32 $0x1  }
0x2: {  	[smem:$0x3F9F] =	sst lr;
	_ =	strace $0xD0000000  }
0x3: {  	_ = 	snop  }
0x4: {  	_ = 	snop  }
0x5: {  	_ = 	snop  }
0x6: {  	_ = 	snop  }
0x7: {  	_ = 	snop  }
__scs_overlays_trampoline_lowered:
0x8: {  	[smem:$0x3FAE] =	sst s0  }
0x9: {  	[smem:$0x3FAF] =	sst s1  }
0xa: {  	[smem:$0x3FB0] =	sst s2  }
0xb: {  	[smem:$0x3FB1] =	sst s3  }
0xc: {  	[smem:$0x3FB2] =	sst s4  }
0xd: {  	[smem:$0x3FB3] =	sst s5  }
0xe: {  	[smem:$0x3FB4] =	sst s6  }
0xf: {  	[smem:$0x3FB5] =	sst s7  }
0x10: {  	[smem:$0x3FB6] =	sst s8  }
0x11: {  	[smem:$0x3FB7] =	sst s9;
	s0 =	simm.s32 @!p0 $0x0  }
0x12: {  	s1 =	sld [smem:$0x3F9D];
	s0 =	simm.s32 @p0 $0x1  }
0x13: {  	[smem:$0x3FB8] =	sst s0;
	s0 =	simm.s32 @!p1 $0x0  }
0x14: {  	s2 =	sld [smem:$0x3F9C];
	s0 =	simm.s32 @p1 $0x1  }
0x15: {  	[smem:$0x3FB9] =	sst s0;
	s0 =	simm.s32 @!p2 $0x0  }
0x16: {  	s3 =	sld [smem:$0x3FDB];
	s0 =	simm.s32 @p2 $0x1  }
0x17: {  	s4 =	simm.s32 $0x1BF5;
	[smem:$0x3FBB] =	sst s0  }
0x18: {  	s0 =	sld [smem:$0x3F9E];
	_ =	swait.ge [sflag:s4], $0x0  }
0x19: {  	s7 =	sld [smem:$0x3F9F]  }
0x1a: {  	s8 =	sadd.s32 $0xFFFFE003, lr  }
0x1b: {  	s9 =	sadd.s32 $0xFFFFFEF7, lr;
	s5 =	simm.s32 $0xFFFFFFFF;
	p2 =	slt.u32 s8, $0xFFFFF086  }
0x1c: {  	p1 =	slt.u32 s9, $0xF7A;
	s5 =	simm.s32 @!p2 $0x0  }
0x1d: {  	s5 =	simm.s32 @p1 $0x1;
	p0 =	seq.s32 s7, s2  }
0x1e: {  	s7 =	smul.u32 @!p0 $0xF7A, s2;
	p2 =	seq.s32 @!p0 s5, $0x0  }
0x1f: {  	s9 =	smul.u32 $0xF7A, s1;
	s8 =	simm.s32 @!p0 $0x1BF5;
	p2 =	por !p2, p0  }
0x20: {  	[sflag:s8] =	ssyncset.s32 @!p0 $0xFFFFF086;
	s6 =	sadd.s32 @!p0 s3, s7;
	s7 =	simm.s32 @!p0 $0x108  }
0x21: {  	s3 =	sadd.s32 s3, s9;
	s6 =	sadd.s32 @!p0 $0x88, s6;
	s7 =	simm.s32 @p2 $0x1082  }
0x22: {  	[simem:s7], [sflag:s8] =	dma.local @!p0 [hbm:s6], $0xF7A  }
0x23: {  	s9 =	sor.u32 $0xD0000000, s2;
	s6 =	simm.s32 $0x108;
	_ =	swait.ge @!p0 [sflag:s8], $0x0  }
0x24: {  	s3 =	sadd.s32 $0x88, s3;
	s6 =	simm.s32 @!p1 $0x1082;
	[sflag:s4] =	ssyncset.s32 $0xFFFFF086  }
0x25: {  	[simem:s6], [sflag:s4] =	dma.local [hbm:s3], $0xF7A  }
0x26: {  	[smem:$0x3F9F] =	sst s1;
	(tag) =	ssettag s2;
	_ =	strace s9  }
0x27: {  	s1 =	sld [smem:$0x3FAF]  }
0x28: {  	s2 =	sld [smem:$0x3FB0]  }
0x29: {  	s4 =	sld [smem:$0x3FB2]  }
0x2a: {  	p0 =	seq.s32 s5, $0x0;
	s5 =	sld [smem:$0x3FB3]  }
0x2b: {  	s6 =	sld [smem:$0x3FB4]  }
0x2c: {  	s7 =	sld [smem:$0x3FB5]  }
0x2d: {  	s3 =	simm.s32 $0x108;
	s8 =	sld [smem:$0x3FB6]  }
0x2e: {  	s3 =	simm.s32 @!p0 $0x1082;
	s9 =	sld [smem:$0x3FB7]  }
0x2f: {  	lr =	sadd.s32 s0, s3;
	s0 =	sld [smem:$0x3FAE]  }
0x30: {  	s3 =	sld [smem:$0x3FB1]  }
0x31: {  	[smem:$0x3FBA] =	sst s10  }
0x32: {  	s10 =	sld [smem:$0x3FB8];
	_ =	sdelay $0x3  }
0x33: {  	p0 =	seq.s32 s10, $0x1;
	s10 =	sld [smem:$0x3FBA];
	_ =	sdelay $0x3  }
0x34: {  	[smem:$0x3FBA] =	sst s10  }
0x35: {  	s10 =	sld [smem:$0x3FB9];
	_ =	sdelay $0x3  }
0x36: {  	p1 =	seq.s32 s10, $0x1;
	s10 =	sld [smem:$0x3FBA];
	_ =	sdelay $0x3  }
0x37: {  	[smem:$0x3FBA] =	sst s10  }
0x38: {  	s10 =	sld [smem:$0x3FBB]  }
0x39: {  	_ = 	snop;
	(pc) =	sbr.ind lr, $3  }
0x3a: {  	_ = 	snop  }
0x3b: {  	_ = 	snop  }
0x3c: {  	p2 =	seq.s32 s10, $0x1;
	s10 =	sld [smem:$0x3FBA]  }
0x3d: {  	_ =	shalt  }
0x3e: {  	_ =	shalt  }
0x3f: {  	_ =	shalt  }
0x40: {  	_ =	shalt  }
0x41: {  	_ =	shalt  }
0x42: {  	_ =	shalt  }
0x43: {  	_ =	shalt  }
0x44: {  	_ =	shalt  }
0x45: {  	_ =	shalt  }
0x46: {  	_ =	shalt  }
0x47: {  	_ =	shalt  }
0x48: {  	_ =	shalt  }
0x49: {  	_ =	shalt  }
0x4a: {  	_ =	shalt  }
0x4b: {  	_ =	shalt  }
0x4c: {  	_ =	shalt  }
0x4d: {  	_ =	shalt  }
0x4e: {  	_ =	shalt  }
0x4f: {  	_ =	shalt  }
0x50: {  	_ =	shalt  }
0x51: {  	_ =	shalt  }
0x52: {  	_ =	shalt  }
0x53: {  	_ =	shalt  }
0x54: {  	_ =	shalt  }
0x55: {  	_ =	shalt  }
0x56: {  	_ =	shalt  }
0x57: {  	_ =	shalt  }
0x58: {  	_ =	shalt  }
0x59: {  	_ =	shalt  }
0x5a: {  	_ =	shalt  }
0x5b: {  	_ =	shalt  }
0x5c: {  	_ =	shalt  }
0x5d: {  	_ =	shalt  }
0x5e: {  	_ =	shalt  }
0x5f: {  	_ =	shalt  }
0x60: {  	_ =	shalt  }
0x61: {  	_ =	shalt  }
0x62: {  	_ =	shalt  }
0x63: {  	_ =	shalt  }
0x64: {  	_ =	shalt  }
0x65: {  	_ =	shalt  }
0x66: {  	_ =	shalt  }
0x67: {  	_ =	shalt  }
0x68: {  	_ =	shalt  }
0x69: {  	_ =	shalt  }
0x6a: {  	_ =	shalt  }
0x6b: {  	_ =	shalt  }
0x6c: {  	_ =	shalt  }
0x6d: {  	_ =	shalt  }
0x6e: {  	_ =	shalt  }
0x6f: {  	_ =	shalt  }
0x70: {  	_ =	shalt  }
0x71: {  	_ =	shalt  }
0x72: {  	_ =	shalt  }
0x73: {  	_ =	shalt  }
0x74: {  	_ =	shalt  }
0x75: {  	_ =	shalt  }
0x76: {  	_ =	shalt  }
0x77: {  	_ =	shalt  }
0x78: {  	_ =	shalt  }
0x79: {  	_ =	shalt  }
0x7a: {  	_ =	shalt  }
0x7b: {  	_ =	shalt  }
0x7c: {  	_ =	shalt  }
0x7d: {  	_ =	shalt  }
0x7e: {  	_ =	shalt  }
0x7f: {  	_ =	shalt  }
0x80: {  	_ =	shalt  }
0x81: {  	_ =	shalt  }
0x82: {  	_ =	shalt  }
0x83: {  	_ =	shalt  }
0x84: {  	_ =	shalt  }
0x85: {  	_ =	shalt  }
0x86: {  	_ =	shalt  }
0x87: {  	_ =	shalt  }
.Lfunc_end0:
.L_simem_size_0:
called_computation_lowered:
.L_overlay_start_0:
0x88: {  	s2 =	sld [smem:$0x3FD9]  }
0x89: {  	s3 =	sld [smem:$0x3FFE];
	_ =	sdelay $0x1  }
0x8a: {  	s1 =	srdreg.scid  }
0x8b: {  	s0 =	sand.u32 $0x1, s1  }
0x8c: {  	s16 =	sshll.u32 s0, $0xA;
	s2 =	sadd.s32 s3, s2  }
0x8d: {  	s2 =	sadd.s32 s2, s16  }
0x8e: {  	[smem:$0x3FC6] =	sst s2  }
0x8f: {  	_ = 	snop  }
0x90: {  	(tm) =	ssettm $0x1  }
0x91: {  	s17 =	sld [smem:$0x3FFB];
	_ =	sdelay $0x3  }
0x92: {  	_ =	strace s17  }
0x93: {  	s2 =	sld [smem:$0x3FFC];
	_ =	sdelay $0x3  }
0x94: {  	_ =	strace s2  }
0x95: {  	s2 =	sld [smem:$0x3FFD];
	_ =	sdelay $0x3  }
0x96: {  	_ =	strace s2  }
0x97: {  	_ =	strace $0x8FFFFFFF  }
0x98: {  	s18 =	sld [smem:$0x3FDB];
	_ =	sdelay $0x1  }
0x99: {  	s19 =	simm.s32 $_scs_section_size  }
0x9a: {  	s4 =	simm.s32 $_size__tile_overlayer_lowered;
	s5 =	simm.s32 $_tile_overlayer_lowered  }
0x9b: {  	s22 =	simm.s32 $0x1BFF;
	s21 =	sshll.u32 s5, $0x1;
	s2 =	sadd.s32 s19, s18  }
0x9c: {  	s6 =	simm.s32 $0x0;
	s20 =	sshll.u32 s4, $0x1;
	s4 =	sadd.s32 s21, s2  }
0x9d: {  	[timem:s6], [sflag:s22] =	dma.local [hbm:s4], s20  }
0x9e: {  	_ =	swait.ge [sflag:s22], s20  }
0x9f: {  	s3 =	ssub.s32 $0x0, s20;
	[sflag:s22] =	ssyncset.done $0x0  }
0xa0: {  	[sflag:s22] =	ssyncadd.s32 s3;
	_ =	sdelay $0x1  }
0xa1: {  	s23 =	simm.s32 $0x1B8B  }
0xa2: {  	_ =	swait.ge [sflag:s23], $0x1  }
0xa3: {  	[sflag:s23] =	ssyncset.done $0x0  }
0xa4: {  	s25 =	simm.s32 $0x1B8E;
	s24 =	sld [smem:$0x3FFE];
	[sflag:s23] =	ssyncadd.s32 $0xFFFFFFFF  }
0xa5: {  	s26 =	simm.s32 $execute0_lowered;
	[smem:$0x3FD2] =	sst s25  }
0xa6: {  	s4 =	sshll.u32 s26, $0x1;
	_ =	strace $0x80000046;
	[dreg:$0x1] =	wrdreg $0xFFFFFFFF  }
0xa7: {  	s28 =	simm.s32 $_size_execute0_lowered;
	s2 =	sadd.s32 s2, s4;
	[dreg:$0x0] =	wrdreg $0x0  }
0xa8: {  	s4 =	sshll.u32 s28, $0x1;
	[dreg:$0x2] =	wrdreg s2  }
0xa9: {  	[dreg:$0x3] =	wrdreg s4  }
0xaa: {  	[dreg:$0x4] =	wrdreg $0xC0  }
0xab: {  	_ =	task [dreg:s6], $0x5FFFF  }
0xac: {  	[dreg:$0x1] =	wrdreg $0xFFFFFFFF  }
0xad: {  	[dreg:$0x0] =	wrdreg $0x60  }
0xae: {  	[dreg:$0x2] =	wrdreg s24  }
0xaf: {  	[dreg:$0x3] =	wrdreg $0x9  }
0xb0: {  	_ =	task.clear_ibuf [dreg:s6], $0x4FFFF;
	_ =	strace $0x90000046  }
0xb1: {  	s29 =	simm.s32 $0x9;
	_ =	strace $0x80000048  }
0xb2: {  	_ =	swait.ge [sflag:s29], $0x1  }
0xb3: {  	[sflag:s29] =	ssyncadd.s32 $0xFFFFFFFF  }
0xb4: {  	_ =	strace $0x90000048  }
0xb5: {  	_ =	sfence  }
0xb6: {  	s30 =	sld [smem:$0x0];
	_ =	sdelay $0x2  }
0xb7: {  	s31 =	sshll.u32 s1, $0xD;
	s1 =	sshrl.u32 s1, $0x2  }
0xb8: {  	s3 =	sand.u32 $0x4000, s31;
	s1 =	sadd.s32 s1, s30  }
0xb9: {  	s0 =	sor.u32 s3, s0;
	s1 =	sshll.u32 s1, $0x11  }
0xba: {  	s0 =	sor.u32 s1, s0  }
0xbb: {  	s0 =	sadd.s32 $0x8F2B, s0  }
0xbc: {  	[sflag:s0] =	ssyncadd.remote.s32 $0x1  }
0xbd: {  	_ =	sfence.sel $0xFFFF  }
0xbe: {  	[dreg:$0x0] =	wrdreg $0xFFFFFFFF;
	(pc) =	sbr.abs _section_cstart, $3  }
0xbf: {  	[dreg:$0x1] =	wrdreg $0xFFFFFFFF  }
0xc0: {  	_ =	task.clear_ibuf [dreg:s6], $0x2FFFF;
	_ =	strace $0x9FFFFFFF  }
0xc1: {  	(tm) =	ssettm $0x7FFFFFFF  }
tec
execute0_lowered:
.L_overlay_start_1:
0x0: {  	(tag) =	ssettag $0x1  }
0x1: {  	s0 =	rddreg [dreg:$0x0];
	s2 =	simm.s32 $0x0;
	s1 =	srdreg.scid  }
0x2: {  	s3 =	stileid.u32;
	s14 =	simm.s32 $0x4080;
	s15 =	simm.s32 $0x8100  }
0x3: {  	s16 =	simm.s32 $0x14280;
	s17 =	simm.s32 $0x1;
	s18 =	simm.s32 $0xC180  }
0x4: {  	s19 =	simm.s32 $0x10200;
	s20 =	simm.s32 $0x3;
	s21 =	simm.s32 $0x18300  }
0x5: {  	s22 =	simm.s32 $0x19380;
	s23 =	simm.s32 $0x2;
	s24 =	simm.s32 $0x4  }
0x6: {  	s25 =	simm.s32 $0x0;
	s1 =	sand.u32 $0x1, s1;
	s3 =	sshll.u32 s3, $0x1  }
0x7: {  	s26 =	simm.s32 $0x0;
	[smem:$0x7FF] =	sst s2;
	s6 =	sor.u32 s1, s3  }
0x8: {  	s4 =	sadd.s32 $0x200400, s0;
	s1 =	ssub.s32 $0x2, s1;
	s7 =	smul.u32 $0x40800, s6  }
0x9: {  	s5 =	sadd.s32 $0x400, s0;
	s8 =	sshrl.u32 s1, $0x1;
	s9 =	smul.u32 $0x8100, s6  }
0xa: {  	v0 =	vlaneseq.u32;
	_ =	strace $0x80000047;
	s3 =	sadd.s32 $0x302400, s0;
	s28 =	ssub.s32 s1, s8  }
0xb: {  	v1 =	vmul.u32 $0x81, v0;
	s29 =	sshrl.u32 s7, $0x3;
	s30 =	sadd.s32 s3, s9;
	s31 =	sadd.s32 s4, s9  }
0xc: {  	s8 =	sadd.s32 s5, s9;
	s9 =	sshll.u32 s6, $0xB;
	[dreg:$0x2] =	wrdreg s30  }
0xd: {  	[tilespmem:$0x1FFE0] =	vst v1;
	v1 =	vadd.s32 $0x810, v1;
	s13 =	smax.u32 s28, $0x1;
	[dreg:$0x3] =	wrdreg s31;
	s1 =	sadd.s32 s5, s29  }
0xe: {  	v2 =	vimm.f32 $0.0e+00;
	v4 =	vor.u32 $0x10, v0;
	[tilespmem:$0x1FFF0] =	vst v1;
	s11 =	sor.u32 $0x80, s9;
	s12 =	sor.u32 $0x100, s9;
	s10 =	sadd.s32 $0x810, s1  }
.LBB2_1:
0xf: {  	s0 =	simm.s32 $0x40;
	s1 =	simm.s32 $0x0  }
.LBB2_2:
0x10: {  	p0 =	sne.s32 s0, $0x3FC0;
	[tilespmem:s1+$0x18300] =	vst v2;
	s6 =	smov.u32 s0;
	s0 =	sadd.s32 $0x40, s0  }
.Ltmp0:
0x11: {  	[tilespmem:s1+$0x19380] =	vst v2;
	(pc) =	sbr.rel @p0 .LBB2_2-.Ltmp0, $2  }
0x12: {  	_ =	sdelay $0x2  }
0x13: {  	s1 =	sshra.s32 s6, $0x2  }
0x14: {  	[tilespmem:s1+$0x18300] =	vst v2  }
0x15: {  	[tilespmem:s1+$0x19380] =	vst v2;
	s0 =	rddreg [dreg:$0x2]  }
0x16: {  	[tilespmem:s26], [sflag:$0x1] =	stream.linear.gather [hbm4b:s0+s26], $0x4080, $0x38;
	[tilespmem:$0x1A400] =	vst v63  }
0x17: {  	s31 =	rddreg [dreg:$0x3]  }
0x18: {  	[tilespmem:s14], [sflag:$0x1] =	stream.linear.gather [hbm4b:s31+s26], $0x4080, $0x38;
	[tilespmem:$0x1A400] =	vst v63  }
0x19: {  	_ = 	snop  }
0x1a: {  	[hbm4b:s8+s26] =	stream.linear.scatter [tilespmem:s15], [sflag:$0x3], $0x4080, $0x38;
	[tilespmem:$0x1A400] =	vst v63  }
0x1b: {  	s28 =	simm.s32 $0x0  }
0x1c: {  	[hbm4b:s10+s26] =	stream.linear.scatter [tilespmem:s16], [sflag:$0x4], $0x4080, $0x38;
	[tilespmem:$0x1A400] =	vst v63  }
.LBB2_4:
0x1d: {  	_ =	swait.ge [sflag:s17], $0x4080;
	s30 =	sshll.u32 s28, $0x8  }
0x1e: {  	[sflag:s17] =	ssyncset.done $0x0;
	s0 =	sadd.s32 s11, s30  }
0x1f: {  	[sflag:s17] =	ssyncadd.s32 $0xFFFFBF80;
	s0 =	smul.u32 $0x81, s0  }
0x20: {  	_ =	swait.ge [sflag:s17], $0x4080  }
0x21: {  	[sflag:s17] =	ssyncset.done $0x0;
	s29 =	sshrl.u32 s0, $0x3  }
0x22: {  	[sflag:s17] =	ssyncadd.s32 $0xFFFFBF80;
	s0 =	sadd.s32 s3, s29  }
0x23: {  	[tilespmem:s18], [sflag:$0x2] =	stream.linear.gather [hbm4b:s0+s26], $0x4080, $0x38;
	[tilespmem:$0x1A400] =	vst v63  }
0x24: {  	s7 =	sadd.s32 s4, s29  }
0x25: {  	[tilespmem:s19], [sflag:$0x2] =	stream.linear.gather [hbm4b:s7+s26], $0x4080, $0x38;
	[tilespmem:$0x1A400] =	vst v63  }
0x26: {  	_ =	swait.ge [sflag:s20], $0x4080  }
0x27: {  	[sflag:s20] =	ssyncset.done $0x0  }
0x28: {  	s31 =	simm.s32 $0x0;
	[sflag:s20] =	ssyncadd.s32 $0xFFFFBF80  }
.LBB2_5:
0x29: {  	v1 =	vld [tilespmem:$0x1FFF0];
	_ =	sdelay $0x2  }
0x2a: {  	s0 =	smul.u32 $0x1020, s31;
	_ =	sdelay $0x1  }
0x2b: {  	v5 =	vadd.s32 s0, v1;
	v1 =	vld [tilespmem:$0x1FFE0];
	_ =	sdelay $0x3  }
0x2c: {  	v15 =	vadd.s32 $0x1, v5  }
0x2d: {  	v6 =	vadd.s32 s0, v1  }
0x2e: {  	v12 =	vadd.s32 $0x2, v5  }
0x2f: {  	v8 =	vadd.s32 $0x1, v6  }
0x30: {  	v13 =	vadd.s32 $0x3, v5;
	v11 =	vld.idx.msk [tilespmem:v5+s14+$0x0], $0xffff  }
0x31: {  	v7 =	vadd.s32 $0x2, v6;
	v20 =	vld.idx.msk [tilespmem:v15+s14+$0x0], $0xffff  }
0x32: {  	v9 =	vadd.s32 $0x3, v6;
	v16 =	vld.idx.msk [tilespmem:v6+s14+$0x0], $0xffff  }
0x33: {  	v14 =	vadd.s32 $0x4, v5;
	v28 =	vld.idx.msk [tilespmem:v12+s14+$0x0], $0xffff  }
0x34: {  	v17 =	vadd.s32 $0x4, v6;
	v22 =	vld.idx.msk [tilespmem:v8+s14+$0x0], $0xffff  }
0x35: {  	v21 =	vadd.s32 $0x1, v14;
	v10 =	vld.idx.msk [tilespmem:v13+s14+$0x0], $0xffff  }
0x36: {  	v23 =	vimm.f32 $0.0e+00;
	v18 =	vadd.s32 $0x1, v17;
	v30 =	vld.idx.msk [tilespmem:v7+s14+$0x0], $0xffff  }
0x37: {  	v19 =	vadd.s32 $0x2, v14;
	v24 =	vld.idx.msk [tilespmem:v9+s14+$0x0], $0xffff;
	v25 =	vadd.f32 v16, v23;
	v23 =	vadd.f32 v11, v23  }
0x38: {  	v29 =	vadd.s32 $0x2, v17;
	v11 =	vld.idx.msk [tilespmem:v14+s14+$0x0], $0xffff  }
0x39: {  	v16 =	vld.idx.msk [tilespmem:v17+s14+$0x0], $0xffff;
	v22 =	vadd.f32 v22, v25;
	v32 =	vadd.f32 v20, v23;
	v23 =	vadd.s32 $0x3, v14  }
0x3a: {  	v27 =	vadd.s32 $0x3, v17;
	v20 =	vld.idx.msk [tilespmem:v21+s14+$0x0], $0xffff  }
0x3b: {  	v25 =	vld.idx.msk [tilespmem:v18+s14+$0x0], $0xffff;
	v31 =	vadd.f32 v30, v22;
	v30 =	vadd.f32 v28, v32  }
0x3c: {  	v26 =	vadd.s32 $0x4, v14;
	s0 =	simm.s32 $0x4;
	v22 =	vld.idx.msk [tilespmem:v19+s14+$0x0], $0xffff;
	v28 =	vadd.s32 $0x4, v17  }
.LBB2_6:
0x3d: {  	v32 =	vadd.s32 $0x1, v26;
	v33 =	vld.idx.msk [tilespmem:v29+s14+$0x0], $0xffff;
	v24 =	vadd.f32 v24, v31;
	v29 =	vadd.f32 v10, v30  }
0x3e: {  	v30 =	vadd.s32 $0x1, v28;
	s0 =	sadd.s32 $0x4, s0;
	v10 =	vld.idx.msk [tilespmem:v23+s14+$0x0], $0xffff  }
0x3f: {  	v34 =	vadd.s32 $0x2, v26;
	p0 =	slt.u32 s0, $0x7C;
	v31 =	vadd.f32 v16, v24;
	v35 =	vadd.f32 v11, v29;
	v24 =	vld.idx.msk [tilespmem:v27+s14+$0x0], $0xffff  }
.Ltmp1:
0x40: {  	v29 =	vadd.s32 $0x2, v28;
	v11 =	vld.idx.msk [tilespmem:v26+s14+$0x0], $0xffff;
	(pc) =	sbr.rel @p0 .LBB2_6-.Ltmp1, $4  }
0x41: {  	v23 =	vadd.s32 $0x3, v26;
	v16 =	vld.idx.msk [tilespmem:v28+s14+$0x0], $0xffff;
	v31 =	vadd.f32 v25, v31;
	v35 =	vadd.f32 v20, v35  }
0x42: {  	v27 =	vadd.s32 $0x3, v28;
	v20 =	vld.idx.msk [tilespmem:v32+s14+$0x0], $0xffff  }
0x43: {  	v26 =	vadd.s32 $0x4, v26;
	v25 =	vld.idx.msk [tilespmem:v30+s14+$0x0], $0xffff;
	v31 =	vadd.f32 v33, v31;
	v30 =	vadd.f32 v22, v35  }
0x44: {  	v28 =	vadd.s32 $0x4, v28;
	v22 =	vld.idx.msk [tilespmem:v34+s14+$0x0], $0xffff  }
0x45: {  	_ =	sdelay $0x2  }
0x46: {  	v24 =	vadd.f32 v24, v31  }
0x47: {  	v26 =	vld.idx.msk [tilespmem:v29+s14+$0x0], $0xffff  }
0x48: {  	v16 =	vadd.f32 v16, v24  }
0x49: {  	v24 =	vld.idx.msk [tilespmem:v27+s14+$0x0], $0xffff  }
0x4a: {  	v16 =	vadd.f32 v25, v16;
	_ =	sdelay $0x1  }
0x4b: {  	v16 =	vadd.f32 v26, v16;
	_ =	sdelay $0x1  }
0x4c: {  	v16 =	vadd.f32 v24, v16;
	_ =	sdelay $0x1  }
0x4d: {  	(erf) = vrcp.f32 v16;
	_ =	sdelay $0x4  }
0x4e: {  	v24 =	vld.idx.msk [tilespmem:v6+s14+$0x0], $0xffff;
	_ =	sdelay $0x1  }
0x4f: {  	v10 =	vadd.f32 v10, v30;
	v25 =	vld.idx.msk [tilespmem:v8+s14+$0x0], $0xffff;
	_ =	sdelay $0x1  }
0x50: {  	v10 =	vadd.f32 v11, v10;
	v26 =	vld.idx.msk [tilespmem:v7+s14+$0x0], $0xffff;
	v16 =	vimm.f32 $0.0e+00;
	v11 =	vpop (erf)  }
0x51: {  	v24 =	vadd.f32 v24, v16;
	v11 =	vmul.f32 $1.280000000e+02, v11  }
0x52: {  	v23 =	vld.idx.msk [tilespmem:v23+s14+$0x0], $0xffff  }
0x53: {  	v10 =	vadd.f32 v20, v10;
	v20 =	vmul.f32 v24, v11;
	v24 =	vadd.f32 v25, v24;
	_ =	sdelay $0x1  }
0x54: {  	v10 =	vadd.f32 v22, v10;
	v25 =	vadd.f32 v26, v24  }
0x55: {  	v22 =	vsub.f32 v20, v16  }
0x56: {  	v10 =	vadd.f32 v23, v10;
	v24 =	vmul.f32 v24, v11;
	v26 =	vmul.f32 v25, v11  }
0x57: {  	vm0 =	vlt.f32 v22, $1.279999970e-03  }
0x58: {  	(erf) = vrcp.f32 v10;
	v10 =	vsel vm0, $0x43000000, v22;
	v22 =	vsub.f32 v26, v24  }
0x59: {  	v23 =	vadd.f32 $1.258291200e+07, v16;
	v27 =	vsub.f32 v24, v20;
	(erf) = vrcp.f32 v10;
	v10 =	vld.idx.msk [tilespmem:v9+s14+$0x0], $0xffff  }
0x5a: {  	vm0 =	vlt.f32 v22, $1.279999970e-03  }
0x5b: {  	v28 =	vld.idx.msk [tilespmem:v6+s2+$0x0], $0xffff;
	v23 =	vadd.f32 $-1.258291200e+07, v23;
	vm1 =	vlt.f32 v27, $1.279999970e-03;
	v22 =	vsel vm0, $0x43000000, v22  }
0x5c: {  	v29 =	vld.idx.msk [tilespmem:v8+s2+$0x0], $0xffff;
	v30 =	vadd.f32 $1.258291200e+07, v20;
	v27 =	vsel vm1, $0x43000000, v27;
	(erf) = vrcp.f32 v22  }
0x5d: {  	v22 =	vtrunc.f32 v23;
	(erf) = vrcp.f32 v27  }
0x5e: {  	v35 =	vld.idx.msk [tilespmem:v9+s2+$0x0], $0xffff;
	v23 =	vadd.f32 $-1.258291200e+07, v30;
	v10 =	vadd.f32 v10, v25;
	v22 =	vcvt.f32.s32 v22  }
0x5f: {  	v32 =	vadd.f32 $1.258291200e+07, v24;
	v30 =	vld.idx.msk [tilespmem:v7+s2+$0x0], $0xffff  }
0x60: {  	v23 =	vtrunc.f32 v23;
	v31 =	vmul.f32 v10, v11;
	vm0 =	vlt.s32 v22, $0x80  }
0x61: {  	v27 =	vpop (erf);
	v25 =	vsub.f32 v29, v28;
	v23 =	vcvt.f32.s32 v23;
	v22 =	vnsel vm0, $0x80, v22  }
0x62: {  	v39 =	vadd.f32 $1.258291200e+07, v26;
	v33 =	vpop (erf);
	v34 =	vsub.f32 v31, v26;
	v48 =	vshll.u32 v22, $0x5  }
0x63: {  	vm0 =	vlt.s32 v23, $0x80;
	v33 =	vmul.f32 v33, v25;
	v25 =	vadd.f32 $-1.258291200e+07, v32  }
0x64: {  	v36 =	vsub.f32 v30, v29;
	v50 =	vsub.f32 v35, v30;
	vm1 =	vlt.f32 v34, $1.279999970e-03  }
0x65: {  	v22 =	vmul.f32 v33, v16;
	v25 =	vtrunc.f32 v25;
	v34 =	vsel vm1, $0x43000000, v34;
	v49 =	vpop (erf)  }
0x66: {  	v37 =	vnsel vm0, $0x80, v23;
	v25 =	vcvt.f32.s32 v25;
	(erf) = vrcp.f32 v34;
	v40 =	vpop (erf)  }
0x67: {  	v52 =	vld.idx.msk [tilespmem:v17+s14+$0x0], $0xffff;
	v38 =	vor.u32 v0, v48;
	v22 =	vsub.f32 v28, v22;
	v28 =	vmul.f32 v40, v36  }
0x68: {  	v37 =	vshll.u32 v37, $0x5;
	v34 =	vmul.f32 v49, v50;
	vm0 =	vlt.s32 v25, $0x80  }
0x69: {  	v23 =	vld.idx.msk [tilespmem:v17+s2+$0x0], $0xffff;
	v51 =	vnsel vm0, $0x80, v25;
	v25 =	vadd.f32 $-1.258291200e+07, v39;
	v20 =	vmul.f32 v28, v20  }
0x6a: {  	v43 =	vld.idx.msk [tilespmem:v18+s14+$0x0], $0xffff;
	v53 =	vor.u32 v0, v37;
	v41 =	vsub.f32 v22, v16;
	v24 =	vmul.f32 v34, v24  }
0x6b: {  	v54 =	vsub.f32 v33, v16;
	v42 =	vtrunc.f32 v25;
	v25 =	vld.idx.msk [tilespmem:v5+s2+$0x0], $0xffff;
	v20 =	vsub.f32 v29, v20  }
0x6c: {  	v56 =	vadd.f32 v52, v10;
	[tilespmem:v38+s21+$0x0] =	vst.idx.add.f32.msk $0xffff, v41;
	v24 =	vsub.f32 v30, v24;
	v29 =	vshll.u32 v51, $0x5  }
0x6d: {  	[tilespmem:v38+s22+$0x0] =	vst.idx.add.f32.msk $0xffff, v54;
	v29 =	vor.u32 v0, v29;
	v22 =	vsub.f32 v20, v22  }
0x6e: {  	v55 =	vsub.f32 v23, v35;
	v30 =	vsub.f32 v28, v33;
	v42 =	vcvt.f32.s32 v42;
	v38 =	vld.idx.msk [tilespmem:v5+s14+$0x0], $0xffff  }
0x6f: {  	v59 =	vadd.s32 $0x3, v17;
	v28 =	vsub.f32 v34, v28;
	v20 =	vsub.f32 v24, v20;
	v10 =	vpop (erf);
	[tilespmem:v53+s21+$0x0] =	vst.idx.add.f32.msk $0xffff, v22  }
0x70: {  	vm0 =	vlt.s32 v42, $0x80;
	v39 =	vmul.f32 v10, v55;
	v22 =	vmul.f32 v56, v11;
	[tilespmem:v53+s22+$0x0] =	vst.idx.add.f32.msk $0xffff, v30  }
0x71: {  	v57 =	vnsel vm0, $0x80, v42;
	v10 =	vmul.f32 $1.280000000e+02, v27;
	v27 =	vadd.f32 $1.258291200e+07, v31;
	v36 =	vld.idx.msk [tilespmem:v15+s14+$0x0], $0xffff  }
0x72: {  	v33 =	vshll.u32 v57, $0x5;
	v26 =	vmul.f32 v39, v26;
	v30 =	vsub.f32 v22, v31;
	[tilespmem:v29+s21+$0x0] =	vst.idx.add.f32.msk $0xffff, v20  }
0x73: {  	v33 =	vor.u32 v0, v33;
	v27 =	vadd.f32 $-1.258291200e+07, v27;
	v20 =	vadd.f32 v38, v16;
	v41 =	vld.idx.msk [tilespmem:v12+s2+$0x0], $0xffff  }
0x74: {  	v58 =	vadd.f32 $1.258291200e+07, v22;
	[tilespmem:v29+s22+$0x0] =	vst.idx.add.f32.msk $0xffff, v28;
	v35 =	vsub.f32 v35, v26;
	vm0 =	vlt.f32 v30, $1.279999970e-03  }
0x75: {  	v26 =	vtrunc.f32 v27;
	v27 =	vadd.s32 $0x2, v17;
	v29 =	vld.idx.msk [tilespmem:v12+s14+$0x0], $0xffff;
	v38 =	vmul.f32 v20, v10  }
0x76: {  	v28 =	vsel vm0, $0x43000000, v30;
	v26 =	vcvt.f32.s32 v26;
	v30 =	vld.idx.msk [tilespmem:v18+s2+$0x0], $0xffff;
	v24 =	vsub.f32 v35, v24  }
0x77: {  	(erf) = vrcp.f32 v28;
	v28 =	vsub.f32 v39, v34;
	v60 =	vadd.f32 v36, v20;
	v36 =	vld.idx.msk [tilespmem:v15+s2+$0x0], $0xffff  }
0x78: {  	v32 =	vadd.f32 $1.258291200e+07, v38;
	[tilespmem:v33+s21+$0x0] =	vst.idx.add.f32.msk $0xffff, v24  }
0x79: {  	v34 =	vadd.f32 $-1.258291200e+07, v58;
	vm0 =	vlt.s32 v26, $0x80;
	v24 =	vsub.f32 v38, v16;
	[tilespmem:v33+s22+$0x0] =	vst.idx.add.f32.msk $0xffff, v28  }
0x7a: {  	v18 =	vor.u32 v4, v48;
	v26 =	vnsel vm0, $0x80, v26;
	v32 =	vadd.f32 $-1.258291200e+07, v32;
	v42 =	vld.idx.msk [tilespmem:v27+s2+$0x0], $0xffff  }
0x7b: {  	v28 =	vtrunc.f32 v34;
	v61 =	vshll.u32 v26, $0x5;
	v26 =	vld.idx.msk [tilespmem:v59+s2+$0x0], $0xffff;
	vm0 =	vlt.f32 v24, $1.279999970e-03  }
0x7c: {  	v29 =	vadd.f32 v29, v60;
	v33 =	vld.idx.msk [tilespmem:v13+s14+$0x0], $0xffff;
	v62 =	vsub.f32 v30, v23;
	v20 =	vsel vm0, $0x43000000, v24  }
0x7d: {  	v34 =	vor.u32 v0, v61;
	(erf) = vrcp.f32 v20;
	v20 =	vmul.f32 v60, v10  }
0x7e: {  	v32 =	vtrunc.f32 v32;
	v24 =	vcvt.f32.s32 v28;
	v46 =	vsub.f32 v36, v25  }
0x7f: {  	v28 =	vmul.f32 v29, v10;
	v53 =	vsub.f32 v41, v36;
	v45 =	vsub.f32 v20, v38  }
0x80: {  	vm0 =	vlt.s32 v24, $0x80;
	v37 =	vsub.f32 v26, v42;
	v63 =	vadd.f32 $1.258291200e+07, v20  }
0x81: {  	v44 =	vld.idx.msk [tilespmem:v27+s14+$0x0], $0xffff;
	v47 =	vnsel vm0, $0x80, v24;
	v57 =	vsub.f32 v28, v20;
	v27 =	vadd.f32 v33, v29  }
0x82: {  	v24 =	vadd.s32 $0x4, v17;
	v17 =	vpop (erf);
	v33 =	vsub.f32 v42, v30;
	v29 =	vadd.f32 $1.258291200e+07, v28  }
0x83: {  	v47 =	vshll.u32 v47, $0x5;
	v15 =	vmul.f32 v17, v62;
	v17 =	vadd.f32 v43, v56  }
0x84: {  	vm0 =	vlt.f32 v45, $1.279999970e-03;
	vm1 =	vlt.f32 v57, $1.279999970e-03;
	v47 =	vor.u32 v0, v47  }
0x85: {  	v40 =	vld.idx.msk [tilespmem:v59+s14+$0x0], $0xffff;
	v12 =	vmul.f32 v27, v10;
	v45 =	vsel vm0, $0x43000000, v45;
	v29 =	vadd.f32 $-1.258291200e+07, v29  }
0x86: {  	v58 =	vsel vm1, $0x43000000, v57;
	v31 =	vmul.f32 v15, v31;
	v43 =	vmul.f32 v17, v11  }
0x87: {  	v17 =	vadd.f32 v44, v17;
	(erf) = vrcp.f32 v45;
	v44 =	vadd.f32 $-1.258291200e+07, v63  }
0x88: {  	v39 =	vsub.f32 v15, v39;
	(erf) = vrcp.f32 v58;
	v62 =	vsub.f32 v12, v28  }
0x89: {  	v29 =	vtrunc.f32 v29;
	v48 =	vsub.f32 v43, v22;
	v51 =	vmul.f32 v17, v11  }
0x8a: {  	v49 =	vadd.f32 $1.258291200e+07, v43;
	v40 =	vadd.f32 v40, v17;
	v55 =	vcvt.f32.s32 v29;
	v50 =	vpop (erf)  }
0x8b: {  	v31 =	vsub.f32 v23, v31;
	v50 =	vmul.f32 v50, v46;
	v52 =	vsub.f32 v51, v43  }
0x8c: {  	vm0 =	vlt.f32 v48, $1.279999970e-03;
	v49 =	vadd.f32 $-1.258291200e+07, v49;
	v45 =	vmul.f32 v40, v11  }
0x8d: {  	v17 =	vld.idx.msk [tilespmem:v24+s2+$0x0], $0xffff;
	v56 =	vadd.f32 $1.258291200e+07, v51;
	v35 =	vsub.f32 v31, v35;
	vm1 =	vlt.f32 v52, $1.279999970e-03  }
0x8e: {  	v59 =	vsel vm0, $0x43000000, v48;
	vm0 =	vlt.f32 v62, $1.279999970e-03;
	v60 =	vsel vm1, $0x43000000, v52  }
0x8f: {  	v61 =	vtrunc.f32 v49;
	v54 =	vsub.f32 v50, v16;
	(erf) = vrcp.f32 v60  }
0x90: {  	v46 =	vld.idx.msk [tilespmem:v13+s2+$0x0], $0xffff;
	v13 =	vmul.f32 v50, v16;
	v29 =	vsub.f32 v45, v51;
	(erf) = vrcp.f32 v59  }
0x91: {  	v23 =	vld.idx.msk [tilespmem:v14+s2+$0x0], $0xffff;
	v49 =	vsel vm0, $0x43000000, v62;
	v56 =	vadd.f32 $-1.258291200e+07, v56;
	v52 =	vadd.f32 $1.258291200e+07, v12  }
0x92: {  	v48 =	vcvt.f32.s32 v61;
	v58 =	vsub.f32 v17, v26;
	v25 =	vsub.f32 v25, v13  }
0x93: {  	vm0 =	vlt.f32 v29, $1.279999970e-03;
	v13 =	vtrunc.f32 v44;
	v60 =	vadd.f32 $1.258291200e+07, v45  }
0x94: {  	v62 =	vtrunc.f32 v56;
	vm1 =	vlt.s32 v48, $0x80;
	v57 =	vpop (erf);
	v59 =	vsel vm0, $0x43000000, v29  }
0x95: {  	v13 =	vcvt.f32.s32 v13;
	v48 =	vnsel vm1, $0x80, v48;
	v29 =	vmul.f32 v57, v53  }
0x96: {  	v44 =	vpop (erf);
	(erf) = vrcp.f32 v59;
	v59 =	vsub.f32 v23, v46;
	vm1 =	vlt.s32 v55, $0x80  }
0x97: {  	v56 =	vsub.f32 v25, v16;
	v16 =	vadd.f32 $-1.258291200e+07, v60;
	v48 =	vshll.u32 v48, $0x5  }
0x98: {  	vm0 =	vlt.s32 v13, $0x80;
	(erf) = vrcp.f32 v49;
	v60 =	vmul.f32 v29, v38;
	v63 =	vpop (erf)  }
0x99: {  	v55 =	vnsel vm1, $0x80, v55;
	v16 =	vtrunc.f32 v16;
	v37 =	vmul.f32 v63, v37;
	v61 =	vpop (erf)  }
0x9a: {  	v13 =	vnsel vm0, $0x80, v13;
	v53 =	vmul.f32 v61, v33;
	v33 =	vcvt.f32.s32 v62  }
0x9b: {  	v48 =	vor.u32 v0, v48;
	v57 =	vshll.u32 v13, $0x5;
	v43 =	vmul.f32 v37, v43  }
0x9c: {  	v16 =	vcvt.f32.s32 v16;
	v63 =	vadd.f32 $-1.258291200e+07, v52;
	vm0 =	vlt.s32 v33, $0x80  }
0x9d: {  	v22 =	vmul.f32 v53, v22;
	v15 =	vsub.f32 v53, v15;
	v42 =	vsub.f32 v42, v43  }
0x9e: {  	[tilespmem:v34+s21+$0x0] =	vst.idx.add.f32.msk $0xffff, v35;
	v43 =	vsub.f32 v46, v41;
	v13 =	vnsel vm0, $0x80, v33;
	v33 =	vtrunc.f32 v63  }
0x9f: {  	vm0 =	vlt.s32 v16, $0x80;
	v38 =	vshll.u32 v13, $0x5;
	v30 =	vsub.f32 v30, v22;
	v22 =	vld.idx.msk [tilespmem:v24+s14+$0x0], $0xffff  }
0xa0: {  	[tilespmem:v34+s22+$0x0] =	vst.idx.add.f32.msk $0xffff, v39;
	v63 =	vpop (erf);
	v13 =	vsub.f32 v29, v50;
	v16 =	vnsel vm0, $0x80, v16;
	v52 =	vcvt.f32.s32 v33  }
0xa1: {  	[tilespmem:v18+s21+$0x0] =	vst.idx.add.f32.msk $0xffff, v56;
	v33 =	vadd.s32 $0x3, v14;
	v35 =	vmul.f32 v63, v58;
	v61 =	vshll.u32 v16, $0x5  }
0xa2: {  	[tilespmem:v18+s22+$0x0] =	vst.idx.add.f32.msk $0xffff, v54;
	v16 =	vcvt.f32.s32 v32;
	v39 =	vor.u32 v0, v38;
	v31 =	vsub.f32 v30, v31  }
0xa3: {  	v32 =	vld.idx.msk [tilespmem:v14+s14+$0x0], $0xffff;
	vm0 =	vlt.s32 v52, $0x80;
	v30 =	vsub.f32 v42, v30;
	v58 =	vmul.f32 v35, v51  }
0xa4: {  	vm1 =	vlt.s32 v16, $0x80;
	v52 =	vnsel vm0, $0x80, v52;
	[tilespmem:v47+s21+$0x0] =	vst.idx.add.f32.msk $0xffff, v31;
	v50 =	vadd.f32 v22, v40  }
0xa5: {  	v51 =	vadd.s32 $0x3, v24;
	v16 =	vnsel vm1, $0x80, v16;
	v34 =	vshll.u32 v52, $0x5;
	[tilespmem:v48+s21+$0x0] =	vst.idx.add.f32.msk $0xffff, v30  }
0xa6: {  	v38 =	vsub.f32 v26, v58;
	v40 =	vsub.f32 v37, v53;
	v22 =	vmul.f32 v50, v11  }
0xa7: {  	v31 =	vshll.u32 v16, $0x5;
	[tilespmem:v47+s22+$0x0] =	vst.idx.add.f32.msk $0xffff, v15;
	v16 =	vadd.s32 $0x4, v14;
	v47 =	vadd.s32 $0x1, v24  }
0xa8: {  	v37 =	vsub.f32 v35, v37;
	v15 =	vor.u32 v4, v34;
	v63 =	vsub.f32 v22, v45  }
0xa9: {  	v53 =	vadd.s32 $0x2, v24;
	v62 =	vld.idx.msk [tilespmem:v21+s14+$0x0], $0xffff;
	v14 =	vadd.s32 $0x1, v16;
	v27 =	vadd.f32 v32, v27  }
0xaa: {  	v58 =	vsub.f32 v38, v42;
	[tilespmem:v48+s22+$0x0] =	vst.idx.add.f32.msk $0xffff, v40;
	v56 =	vadd.f32 $1.258291200e+07, v22;
	vm0 =	vlt.f32 v63, $1.279999970e-03  }
0xab: {  	v42 =	vor.u32 v4, v57;
	v40 =	vld.idx.msk [tilespmem:v19+s14+$0x0], $0xffff;
	v32 =	vmul.f32 v27, v10;
	v30 =	vsel vm0, $0x43000000, v63  }
0xac: {  	v57 =	vsub.f32 v36, v60;
	[tilespmem:v39+s21+$0x0] =	vst.idx.add.f32.msk $0xffff, v58;
	v26 =	vadd.f32 $-1.258291200e+07, v56;
	(erf) = vrcp.f32 v30  }
0xad: {  	[tilespmem:v39+s22+$0x0] =	vst.idx.add.f32.msk $0xffff, v37;
	v37 =	vadd.f32 $1.258291200e+07, v32;
	v56 =	vmul.f32 v44, v43;
	v44 =	vor.u32 v0, v61  }
0xae: {  	v63 =	vsub.f32 v32, v12;
	v18 =	vtrunc.f32 v26;
	v30 =	vadd.f32 v62, v27;
	v26 =	vld.idx.msk [tilespmem:v47+s2+$0x0], $0xffff  }
0xaf: {  	v27 =	vor.u32 v4, v31;
	v31 =	vshll.u32 v55, $0x5;
	v47 =	vld.idx.msk [tilespmem:v47+s14+$0x0], $0xffff;
	v62 =	vcvt.f32.s32 v18  }
0xb0: {  	vm1 =	vlt.f32 v63, $1.279999970e-03;
	v18 =	vmul.f32 v30, v10;
	v49 =	vadd.f32 v40, v30  }
0xb1: {  	v43 =	vld.idx.msk [tilespmem:v33+s14+$0x0], $0xffff;
	v36 =	vmul.f32 v56, v20;
	v34 =	vor.u32 v4, v31;
	v58 =	vsel vm1, $0x43000000, v63  }
0xb2: {  	v31 =	vld.idx.msk [tilespmem:v53+s2+$0x0], $0xffff;
	v55 =	vsub.f32 v18, v32;
	v30 =	vpop (erf);
	(erf) = vrcp.f32 v58;
	v20 =	vmul.f32 v49, v10  }
0xb3: {  	v58 =	vsub.f32 v41, v36;
	v52 =	vmul.f32 v30, v59;
	v30 =	vadd.s32 $0x4, v24;
	v24 =	vld.idx.msk [tilespmem:v51+s2+$0x0], $0xffff  }
0xb4: {  	vm0 =	vlt.s32 v62, $0x80;
	v60 =	vsub.f32 v26, v17;
	v50 =	vadd.f32 v47, v50  }
0xb5: {  	v21 =	vld.idx.msk [tilespmem:v21+s2+$0x0], $0xffff;
	v40 =	vnsel vm0, $0x80, v62;
	v59 =	vadd.f32 $1.258291200e+07, v20;
	v47 =	vsub.f32 v58, v57;
	v63 =	vpop (erf)  }
0xb6: {  	v19 =	vld.idx.msk [tilespmem:v19+s2+$0x0], $0xffff;
	v39 =	vsub.f32 v52, v56;
	v62 =	vmul.f32 v52, v28;
	v41 =	vmul.f32 v63, v60  }
0xb7: {  	v48 =	vld.idx.msk [tilespmem:v53+s14+$0x0], $0xffff;
	vm0 =	vlt.f32 v55, $1.279999970e-03;
	v28 =	vadd.f32 v43, v49;
	v43 =	vsub.f32 v31, v26  }
0xb8: {  	s0 =	simm.s32 $0x8;
	v36 =	vmovc v23;
	v49 =	vsub.f32 v46, v62;
	v54 =	vmul.f32 v41, v45;
	v45 =	vsub.f32 v24, v31  }
.LBB2_8:
0xb9: {  	s0 =	sadd.s32 $0x4, s0;
	v53 =	vmul.f32 v50, v11;
	v60 =	vadd.f32 $1.258291200e+07, v18;
	v29 =	vsub.f32 v56, v29  }
0xba: {  	v23 =	vsub.f32 v21, v23;
	v46 =	vmul.f32 v28, v10;
	v25 =	vsub.f32 v57, v25;
	p0 =	slt.u32 s0, $0x7C;
	v51 =	vld.idx.msk [tilespmem:v51+s14+$0x0], $0xffff  }
0xbb: {  	v55 =	vsel vm0, $0x43000000, v55;
	v56 =	vsub.f32 v53, v22;
	v57 =	vadd.f32 $1.258291200e+07, v53;
	v61 =	vpop (erf);
	[tilespmem:v42+s21+$0x0] =	vst.idx.add.f32.msk $0xffff, v47  }
0xbc: {  	v61 =	vmul.f32 v61, v23;
	v23 =	vadd.f32 $-1.258291200e+07, v59;
	[tilespmem:v42+s22+$0x0] =	vst.idx.add.f32.msk $0xffff, v29;
	v29 =	vsub.f32 v49, v58  }
0xbd: {  	vm0 =	vlt.f32 v56, $1.279999970e-03;
	v42 =	vadd.f32 $-1.258291200e+07, v57;
	v57 =	vsub.f32 v19, v21;
	[tilespmem:v27+s21+$0x0] =	vst.idx.add.f32.msk $0xffff, v25  }
0xbe: {  	v25 =	vsub.f32 v20, v18;
	v56 =	vsel vm0, $0x43000000, v56;
	v23 =	vtrunc.f32 v23;
	[tilespmem:v34+s21+$0x0] =	vst.idx.add.f32.msk $0xffff, v29  }
0xbf: {  	v29 =	vtrunc.f32 v42;
	v42 =	vsub.f32 v46, v20;
	(erf) = vrcp.f32 v55;
	[tilespmem:v34+s22+$0x0] =	vst.idx.add.f32.msk $0xffff, v39  }
0xc0: {  	v55 =	vadd.f32 $1.258291200e+07, v46;
	vm0 =	vlt.f32 v25, $1.279999970e-03;
	v29 =	vcvt.f32.s32 v29;
	[tilespmem:v27+s22+$0x0] =	vst.idx.add.f32.msk $0xffff, v13  }
0xc1: {  	v13 =	vsub.f32 v61, v52;
	v25 =	vsel vm0, $0x43000000, v25;
	vm0 =	vlt.f32 v42, $1.279999970e-03  }
0xc2: {  	v34 =	vadd.f32 v48, v50;
	vm1 =	vlt.s32 v29, $0x80;
	v50 =	vld.idx.msk [tilespmem:v30+s2+$0x0], $0xffff;
	(erf) = vrcp.f32 v25  }
0xc3: {  	v27 =	vsel vm0, $0x43000000, v42;
	v42 =	vcvt.f32.s32 v23;
	v25 =	vnsel vm1, $0x80, v29  }
0xc4: {  	v52 =	vmul.f32 v34, v11;
	v51 =	vadd.f32 v51, v34;
	v58 =	vshll.u32 v25, $0x5;
	v47 =	vld.idx.msk [tilespmem:v33+s2+$0x0], $0xffff  }
0xc5: {  	v54 =	vsub.f32 v17, v54;
	v3 =	vadd.f32 $-1.258291200e+07, v60;
	v1 =	vmul.f32 v61, v12;
	v12 =	vmovc v46;
	v23 =	vld.idx.msk [tilespmem:v16+s2+$0x0], $0xffff  }
0xc6: {  	v48 =	vmul.f32 v51, v11;
	v34 =	vadd.f32 $1.258291200e+07, v52;
	v33 =	vsub.f32 v52, v53  }
0xc7: {  	v35 =	vsub.f32 v41, v35;
	v25 =	vsub.f32 v36, v1;
	v17 =	vmov v50  }
0xc8: {  	v1 =	vtrunc.f32 v3;
	vm0 =	vlt.f32 v33, $1.279999970e-03;
	v59 =	vsub.f32 v50, v24;
	v29 =	vpop (erf)  }
0xc9: {  	v60 =	vadd.f32 $-1.258291200e+07, v34;
	v33 =	vsel vm0, $0x43000000, v33;
	v29 =	vmul.f32 v29, v57  }
0xca: {  	v57 =	vadd.f32 $1.258291200e+07, v48;
	(erf) = vrcp.f32 v33;
	v33 =	vcvt.f32.s32 v1;
	v36 =	vmovc v23  }
0xcb: {  	v38 =	vsub.f32 v54, v38;
	v39 =	vsub.f32 v23, v47;
	(erf) = vrcp.f32 v56;
	v34 =	vpop (erf)  }
0xcc: {  	vm1 =	vlt.s32 v42, $0x80;
	v56 =	vtrunc.f32 v60;
	vm0 =	vlt.s32 v33, $0x80  }
0xcd: {  	v49 =	vsub.f32 v25, v49;
	v56 =	vcvt.f32.s32 v56;
	[tilespmem:v44+s21+$0x0] =	vst.idx.add.f32.msk $0xffff, v38;
	v38 =	vsub.f32 v48, v52  }
0xce: {  	v60 =	vnsel vm1, $0x80, v42;
	v33 =	vnsel vm0, $0x80, v33;
	[tilespmem:v44+s22+$0x0] =	vst.idx.add.f32.msk $0xffff, v35;
	v44 =	vsub.f32 v47, v19  }
0xcf: {  	vm1 =	vlt.s32 v56, $0x80;
	v42 =	vshll.u32 v33, $0x5;
	v62 =	vld.idx.msk [tilespmem:v16+s14+$0x0], $0xffff;
	vm0 =	vlt.f32 v38, $1.279999970e-03  }
0xd0: {  	v33 =	vadd.f32 $-1.258291200e+07, v57;
	v35 =	vsel vm0, $0x43000000, v38;
	v38 =	vnsel vm1, $0x80, v56;
	[tilespmem:v15+s21+$0x0] =	vst.idx.add.f32.msk $0xffff, v49  }
0xd1: {  	v49 =	vmul.f32 v29, v32;
	v38 =	vshll.u32 v38, $0x5;
	(erf) = vrcp.f32 v35;
	[tilespmem:v15+s22+$0x0] =	vst.idx.add.f32.msk $0xffff, v13  }
0xd2: {  	v32 =	vtrunc.f32 v33;
	v33 =	vadd.f32 $-1.258291200e+07, v55;
	v13 =	vsub.f32 v29, v61;
	v15 =	vld.idx.msk [tilespmem:v30+s14+$0x0], $0xffff  }
0xd3: {  	v37 =	vadd.f32 $-1.258291200e+07, v37;
	v32 =	vcvt.f32.s32 v32;
	v35 =	vpop (erf)  }
0xd4: {  	v40 =	vshll.u32 v40, $0x5;
	v33 =	vtrunc.f32 v33;
	v45 =	vmul.f32 v35, v45;
	v35 =	vpop (erf)  }
0xd5: {  	v40 =	vor.u32 v0, v40;
	vm0 =	vlt.s32 v32, $0x80;
	v43 =	vmul.f32 v35, v43  }
0xd6: {  	v37 =	vtrunc.f32 v37;
	v32 =	vnsel vm0, $0x80, v32;
	v35 =	vmul.f32 v45, v53  }
0xd7: {  	v53 =	vshll.u32 v32, $0x5;
	v32 =	vor.u32 v0, v58;
	v1 =	vmul.f32 v43, v22  }
0xd8: {  	v37 =	vcvt.f32.s32 v37;
	v55 =	vcvt.f32.s32 v33;
	v31 =	vsub.f32 v31, v35  }
0xd9: {  	v56 =	vadd.s32 $0x2, v16;
	v33 =	vadd.s32 $0x3, v16;
	v26 =	vsub.f32 v26, v1  }
0xda: {  	vm1 =	vlt.s32 v37, $0x80;
	vm0 =	vlt.s32 v55, $0x80;
	v41 =	vsub.f32 v43, v41;
	v22 =	vpop (erf)  }
0xdb: {  	v57 =	vor.u32 v0, v38;
	v55 =	vnsel vm0, $0x80, v55;
	v54 =	vsub.f32 v26, v54  }
0xdc: {  	v61 =	vadd.f32 v15, v51;
	v15 =	vnsel vm1, $0x80, v37;
	v35 =	vmul.f32 v22, v59  }
0xdd: {  	v37 =	vshll.u32 v55, $0x5;
	v43 =	vsub.f32 v45, v43;
	[tilespmem:v40+s21+$0x0] =	vst.idx.add.f32.msk $0xffff, v54;
	v54 =	vshll.u32 v15, $0x5  }
0xde: {  	v16 =	vadd.s32 $0x4, v16;
	v22 =	vmul.f32 v61, v11;
	v26 =	vsub.f32 v31, v26;
	[tilespmem:v40+s22+$0x0] =	vst.idx.add.f32.msk $0xffff, v41  }
0xdf: {  	v38 =	vmul.f32 v35, v52;
	v45 =	vsub.f32 v35, v45;
	v40 =	vadd.s32 $0x1, v30;
	v41 =	vld.idx.msk [tilespmem:v14+s14+$0x0], $0xffff  }
0xe0: {  	v51 =	vsub.f32 v22, v48;
	v52 =	vadd.f32 $1.258291200e+07, v22;
	v59 =	vld.idx.msk [tilespmem:v56+s2+$0x0], $0xffff;
	(erf) = vrcp.f32 v27  }
0xe1: {  	v63 =	vadd.s32 $0x1, v16;
	v15 =	vor.u32 v4, v37;
	v38 =	vsub.f32 v24, v38;
	[tilespmem:v32+s21+$0x0] =	vst.idx.add.f32.msk $0xffff, v26  }
0xe2: {  	v1 =	vadd.s32 $0x2, v30;
	vm0 =	vlt.f32 v51, $1.279999970e-03;
	v24 =	vadd.f32 $-1.258291200e+07, v52;
	[tilespmem:v32+s22+$0x0] =	vst.idx.add.f32.msk $0xffff, v43  }
0xe3: {  	v28 =	vadd.f32 v62, v28;
	v27 =	vsel vm0, $0x43000000, v51;
	v31 =	vsub.f32 v38, v31;
	v43 =	vld.idx.msk [tilespmem:v56+s14+$0x0], $0xffff  }
0xe4: {  	v51 =	vadd.s32 $0x3, v30;
	v26 =	vld.idx.msk [tilespmem:v40+s2+$0x0], $0xffff;
	(erf) = vrcp.f32 v27  }
0xe5: {  	v24 =	vtrunc.f32 v24;
	v32 =	vmul.f32 v28, v10;
	v28 =	vadd.f32 v41, v28;
	[tilespmem:v57+s21+$0x0] =	vst.idx.add.f32.msk $0xffff, v31  }
0xe6: {  	v24 =	vcvt.f32.s32 v24;
	v27 =	vor.u32 v4, v54;
	v41 =	vshll.u32 v60, $0x5;
	[tilespmem:v57+s22+$0x0] =	vst.idx.add.f32.msk $0xffff, v45  }
0xe7: {  	v56 =	vmul.f32 v34, v44;
	v45 =	vsub.f32 v32, v46;
	v46 =	vmul.f32 v28, v10;
	v54 =	vld.idx.msk [tilespmem:v33+s14+$0x0], $0xffff  }
0xe8: {  	vm0 =	vlt.s32 v24, $0x80;
	v37 =	vadd.f32 $1.258291200e+07, v32;
	v34 =	vor.u32 v4, v41;
	v31 =	vld.idx.msk [tilespmem:v1+s2+$0x0], $0xffff  }
0xe9: {  	vm1 =	vlt.f32 v45, $1.279999970e-03;
	v55 =	vsub.f32 v46, v32;
	v28 =	vadd.f32 v43, v28;
	v60 =	vld.idx.msk [tilespmem:v40+s14+$0x0], $0xffff;
	v41 =	vpop (erf)  }
0xea: {  	v40 =	vnsel vm0, $0x80, v24;
	v43 =	vsel vm1, $0x43000000, v45;
	v52 =	vmul.f32 v41, v39  }
0xeb: {  	v42 =	vor.u32 v4, v42;
	v30 =	vadd.s32 $0x4, v30;
	v24 =	vld.idx.msk [tilespmem:v51+s2+$0x0], $0xffff;
	(erf) = vrcp.f32 v43  }
0xec: {  	v57 =	vsub.f32 v21, v49;
	v41 =	vmul.f32 v56, v18;
	v18 =	vmovc v46;
	v39 =	vsub.f32 v52, v56  }
.Ltmp2:
0xed: {  	v44 =	vor.u32 v0, v53;
	v43 =	vsub.f32 v26, v50;
	v3 =	vmul.f32 v52, v20;
	v45 =	vpop (erf);
	v21 =	vld.idx.msk [tilespmem:v14+s2+$0x0], $0xffff;
	(pc) =	sbr.rel @p0 .LBB2_8-.Ltmp2, $4  }
0xee: {  	v20 =	vmul.f32 v28, v10;
	v28 =	vadd.f32 v54, v28;
	v58 =	vsub.f32 v19, v41;
	v19 =	vmovc v59  }
0xef: {  	v14 =	vmovc v63;
	v41 =	vmul.f32 v45, v43;
	v43 =	vsub.f32 v31, v26;
	v49 =	vsub.f32 v47, v3  }
0xf0: {  	vm0 =	vlt.f32 v55, $1.279999970e-03;
	v50 =	vadd.f32 v60, v61;
	v59 =	vadd.f32 $1.258291200e+07, v20  }
0xf1: {  	v47 =	vsub.f32 v58, v57;
	v54 =	vmul.f32 v41, v48;
	v45 =	vsub.f32 v24, v31;
	v48 =	vld.idx.msk [tilespmem:v1+s14+$0x0], $0xffff  }
0xf2: {  	v53 =	vadd.f32 $1.258291200e+07, v18;
	v29 =	vsub.f32 v56, v29  }
0xf3: {  	v1 =	vmul.f32 v50, v11;
	v23 =	vsub.f32 v21, v23;
	v25 =	vsub.f32 v57, v25  }
0xf4: {  	v46 =	vmul.f32 v28, v10;
	v35 =	vsub.f32 v41, v35;
	v37 =	vadd.f32 $-1.258291200e+07, v37  }
0xf5: {  	v55 =	vsel vm0, $0x43000000, v55;
	v17 =	vsub.f32 v17, v54;
	v56 =	vsub.f32 v1, v22  }
0xf6: {  	v57 =	vadd.f32 $1.258291200e+07, v1;
	v60 =	vpop (erf);
	(erf) = vrcp.f32 v55;
	v61 =	vadd.f32 v48, v50  }
0xf7: {  	v55 =	vsub.f32 v46, v20;
	v3 =	vadd.f32 $1.258291200e+07, v46;
	v60 =	vmul.f32 v60, v23  }
0xf8: {  	v23 =	vadd.f32 $-1.258291200e+07, v59;
	v48 =	vsub.f32 v49, v58;
	v58 =	vmul.f32 v61, v11  }
0xf9: {  	v51 =	vld.idx.msk [tilespmem:v51+s14+$0x0], $0xffff;
	v40 =	vshll.u32 v40, $0x5;
	v50 =	vadd.f32 $-1.258291200e+07, v57;
	v57 =	vsub.f32 v20, v18  }
0xfa: {  	v40 =	vor.u32 v0, v40;
	v53 =	vadd.f32 $-1.258291200e+07, v53;
	v63 =	vsub.f32 v58, v1  }
0xfb: {  	v37 =	vtrunc.f32 v37;
	v62 =	vtrunc.f32 v23;
	vm10 =	vlt.f32 v57, $1.279999970e-03  }
0xfc: {  	v23 =	vtrunc.f32 v50;
	v50 =	vsel vm10, $0x43000000, v57;
	vm11 =	vlt.f32 v63, $1.279999970e-03  }
0xfd: {  	vm9 =	vlt.f32 v56, $1.279999970e-03;
	(erf) = vrcp.f32 v50;
	v63 =	vsel vm11, $0x43000000, v63  }
0xfe: {  	v56 =	vsel vm9, $0x43000000, v56;
	v61 =	vadd.f32 v51, v61;
	(erf) = vrcp.f32 v63  }
0xff: {  	v53 =	vtrunc.f32 v53;
	v3 =	vadd.f32 $-1.258291200e+07, v3;
	(erf) = vrcp.f32 v56  }
0x100: {  	v59 =	vsub.f32 v19, v21;
	v53 =	vcvt.f32.s32 v53;
	v11 =	vmul.f32 v61, v11  }
0x101: {  	vm1 =	vlt.f32 v55, $1.279999970e-03;
	v12 =	vmul.f32 v60, v12;
	v3 =	vtrunc.f32 v3  }
0x102: {  	v57 =	vcvt.f32.s32 v23;
	vm14 =	vlt.s32 v53, $0x80;
	v61 =	vsub.f32 v11, v58  }
0x103: {  	v3 =	vcvt.f32.s32 v3;
	v50 =	vsub.f32 v60, v52;
	v52 =	vsel vm1, $0x43000000, v55  }
0x104: {  	vm12 =	vlt.s32 v57, $0x80;
	v63 =	vadd.f32 $1.258291200e+07, v58;
	vm13 =	vlt.f32 v61, $1.279999970e-03  }
0x105: {  	v55 =	vcvt.f32.s32 v62;
	v51 =	vnsel vm12, $0x80, v57;
	v62 =	vpop (erf);
	v56 =	vld.idx.msk [tilespmem:v33+s2+$0x0], $0xffff;
	v33 =	vsel vm13, $0x43000000, v61  }
0x106: {  	v57 =	vmul.f32 v62, v59;
	v54 =	vadd.f32 $-1.258291200e+07, v63;
	v59 =	vpop (erf);
	(erf) = vrcp.f32 v33  }
0x107: {  	v38 =	vsub.f32 v17, v38;
	v36 =	vsub.f32 v36, v12;
	v53 =	vnsel vm14, $0x80, v53;
	v61 =	vpop (erf)  }
0x108: {  	v23 =	vld.idx.msk [tilespmem:v30+s2+$0x0], $0xffff;
	v53 =	vshll.u32 v53, $0x5;
	vm5 =	vlt.s32 v3, $0x80;
	v54 =	vtrunc.f32 v54;
	v63 =	vpop (erf)  }
0x109: {  	[tilespmem:v44+s21+$0x0] =	vst.idx.add.f32.msk $0xffff, v38;
	vm15 =	vlt.s32 v55, $0x80;
	v54 =	vcvt.f32.s32 v54;
	v43 =	vmul.f32 v63, v43  }
0x10a: {  	[tilespmem:v44+s22+$0x0] =	vst.idx.add.f32.msk $0xffff, v35;
	v3 =	vnsel vm5, $0x80, v3;
	v11 =	vadd.f32 $1.258291200e+07, v11;
	v35 =	vmul.f32 v61, v45  }
0x10b: {  	v51 =	vshll.u32 v51, $0x5;
	vm4 =	vlt.s32 v54, $0x80;
	v22 =	vmul.f32 v43, v22  }
0x10c: {  	v55 =	vnsel vm15, $0x80, v55;
	v63 =	vnsel vm4, $0x80, v54;
	v1 =	vmul.f32 v35, v1  }
0x10d: {  	v12 =	vsub.f32 v23, v24;
	v45 =	vor.u32 v0, v51;
	v26 =	vsub.f32 v26, v22  }
0x10e: {  	v44 =	vld.idx.msk [tilespmem:v16+s14+$0x0], $0xffff;
	v3 =	vshll.u32 v3, $0x5;
	v11 =	vadd.f32 $-1.258291200e+07, v11;
	v1 =	vsub.f32 v31, v1  }
0x10f: {  	v32 =	vmul.f32 v57, v32;
	v38 =	vshll.u32 v63, $0x5;
	v63 =	vpop (erf);
	v17 =	vsub.f32 v26, v17  }
0x110: {  	v30 =	vld.idx.msk [tilespmem:v16+s2+$0x0], $0xffff;
	v51 =	vsub.f32 v43, v41;
	v12 =	vmul.f32 v63, v12;
	v26 =	vsub.f32 v1, v26  }
0x111: {  	(erf) = vrcp.f32 v52;
	v22 =	vsub.f32 v57, v60;
	v60 =	vcvt.f32.s32 v37;
	[tilespmem:v40+s21+$0x0] =	vst.idx.add.f32.msk $0xffff, v17  }
0x112: {  	v37 =	vadd.s32 $0x2, v16;
	v63 =	vsub.f32 v35, v43;
	v17 =	vmul.f32 v12, v58;
	[tilespmem:v45+s21+$0x0] =	vst.idx.add.f32.msk $0xffff, v26  }
0x113: {  	v11 =	vtrunc.f32 v11;
	v61 =	vadd.f32 v44, v28;
	v38 =	vor.u32 v0, v38;
	[tilespmem:v40+s22+$0x0] =	vst.idx.add.f32.msk $0xffff, v51  }
0x114: {  	v11 =	vcvt.f32.s32 v11;
	v21 =	vsub.f32 v21, v32;
	[tilespmem:v45+s22+$0x0] =	vst.idx.add.f32.msk $0xffff, v63;
	v17 =	vsub.f32 v24, v17  }
0x115: {  	v33 =	vsub.f32 v36, v49;
	v43 =	vadd.s32 $0x3, v16;
	v40 =	vld.idx.msk [tilespmem:v14+s14+$0x0], $0xffff;
	v24 =	vmul.f32 v61, v10  }
0x116: {  	v62 =	vsub.f32 v30, v56;
	vm6 =	vlt.s32 v60, $0x80;
	v14 =	vld.idx.msk [tilespmem:v14+s2+$0x0], $0xffff;
	v1 =	vsub.f32 v17, v1  }
0x117: {  	v35 =	vsub.f32 v12, v35;
	v49 =	vnsel vm6, $0x80, v60;
	v41 =	vld.idx.msk [tilespmem:v37+s14+$0x0], $0xffff;
	v51 =	vsub.f32 v24, v46  }
0x118: {  	v54 =	vsub.f32 v56, v19;
	v16 =	vadd.s32 $0x4, v16;
	v26 =	vshll.u32 v49, $0x5;
	[tilespmem:v38+s21+$0x0] =	vst.idx.add.f32.msk $0xffff, v1  }
0x119: {  	v58 =	vshll.u32 v55, $0x5;
	v44 =	vadd.f32 $1.258291200e+07, v24;
	vm7 =	vlt.f32 v51, $1.279999970e-03;
	[tilespmem:v38+s22+$0x0] =	vst.idx.add.f32.msk $0xffff, v35  }
0x11a: {  	v60 =	vpop (erf);
	v1 =	vor.u32 v4, v3;
	v28 =	vadd.f32 v40, v61;
	v52 =	vsel vm7, $0x43000000, v51;
	v38 =	vld.idx.msk [tilespmem:v43+s14+$0x0], $0xffff  }
0x11b: {  	v61 =	vmul.f32 v59, v54;
	v40 =	vmul.f32 v60, v62;
	v59 =	vsub.f32 v14, v30  }
0x11c: {  	(erf) = vrcp.f32 v52;
	v35 =	vmul.f32 v28, v10;
	v28 =	vadd.f32 v41, v28  }
0x11d: {  	v3 =	vor.u32 v4, v26;
	v51 =	vadd.f32 $-1.258291200e+07, v44;
	v32 =	vsub.f32 v40, v61  }
0x11e: {  	v20 =	vmul.f32 v40, v20;
	v26 =	vsub.f32 v61, v57;
	v41 =	vmul.f32 v28, v10  }
0x11f: {  	v18 =	vmul.f32 v61, v18;
	v62 =	vsub.f32 v35, v24;
	v28 =	vadd.f32 v38, v28  }
0x120: {  	v31 =	vor.u32 v4, v58;
	v20 =	vsub.f32 v56, v20;
	v56 =	vsub.f32 v41, v35  }
0x121: {  	v18 =	vsub.f32 v19, v18;
	vm8 =	vlt.f32 v62, $1.279999970e-03;
	v10 =	vmul.f32 v28, v10  }
0x122: {  	[tilespmem:v42+s21+$0x0] =	vst.idx.add.f32.msk $0xffff, v47;
	v58 =	vadd.f32 $1.258291200e+07, v35;
	v19 =	vsel vm8, $0x43000000, v62;
	vm9 =	vlt.f32 v56, $1.279999970e-03  }
0x123: {  	[tilespmem:v42+s22+$0x0] =	vst.idx.add.f32.msk $0xffff, v29;
	(erf) = vrcp.f32 v19;
	v28 =	vsel vm9, $0x43000000, v56;
	v61 =	vsub.f32 v10, v41  }
0x124: {  	[tilespmem:v27+s21+$0x0] =	vst.idx.add.f32.msk $0xffff, v25;
	v55 =	vtrunc.f32 v51;
	v63 =	vadd.f32 $1.258291200e+07, v41;
	(erf) = vrcp.f32 v28  }
0x125: {  	v37 =	vld.idx.msk [tilespmem:v37+s2+$0x0], $0xffff;
	v49 =	vadd.f32 $-1.258291200e+07, v58;
	v19 =	vsub.f32 v18, v21;
	v60 =	vpop (erf);
	vm10 =	vlt.f32 v61, $1.279999970e-03  }
0x126: {  	[tilespmem:v27+s22+$0x0] =	vst.idx.add.f32.msk $0xffff, v13;
	v21 =	vsub.f32 v21, v36;
	v36 =	vmul.f32 v60, v59;
	v62 =	vsel vm10, $0x43000000, v61  }
0x127: {  	v45 =	vor.u32 v4, v53;
	v57 =	vcvt.f32.s32 v55;
	v28 =	vld.idx.msk [tilespmem:v43+s2+$0x0], $0xffff;
	(erf) = vrcp.f32 v62  }
0x128: {  	[tilespmem:v34+s21+$0x0] =	vst.idx.add.f32.msk $0xffff, v48;
	v38 =	vadd.f32 $-1.258291200e+07, v63;
	v49 =	vtrunc.f32 v49;
	v46 =	vmul.f32 v36, v46  }
0x129: {  	[tilespmem:v34+s22+$0x0] =	vst.idx.add.f32.msk $0xffff, v39;
	vm13 =	vlt.s32 v57, $0x80;
	v18 =	vsub.f32 v20, v18;
	v42 =	vcvt.f32.s32 v49  }
0x12a: {  	v16 =	vld.idx.msk [tilespmem:v16+s2+$0x0], $0xffff;
	v63 =	vsub.f32 v37, v14;
	v38 =	vtrunc.f32 v38;
	v29 =	vsub.f32 v30, v46  }
0x12b: {  	[tilespmem:v15+s21+$0x0] =	vst.idx.add.f32.msk $0xffff, v33;
	v10 =	vadd.f32 $1.258291200e+07, v10;
	v38 =	vcvt.f32.s32 v38;
	vm11 =	vlt.s32 v42, $0x80  }
0x12c: {  	[tilespmem:v15+s22+$0x0] =	vst.idx.add.f32.msk $0xffff, v50;
	v60 =	vnsel vm13, $0x80, v57;
	v53 =	vpop (erf);
	v13 =	vsub.f32 v29, v20;
	v20 =	vsub.f32 v28, v37  }
0x12d: {  	[tilespmem:v45+s21+$0x0] =	vst.idx.add.f32.msk $0xffff, v19;
	v58 =	vnsel vm11, $0x80, v42;
	v10 =	vadd.f32 $-1.258291200e+07, v10;
	v52 =	vsub.f32 v36, v40;
	v15 =	vpop (erf)  }
0x12e: {  	[tilespmem:v3+s21+$0x0] =	vst.idx.add.f32.msk $0xffff, v21;
	vm12 =	vlt.s32 v38, $0x80;
	v54 =	vmul.f32 v53, v63;
	v15 =	vmul.f32 v15, v20  }
0x12f: {  	[tilespmem:v31+s21+$0x0] =	vst.idx.add.f32.msk $0xffff, v18;
	v27 =	vshll.u32 v58, $0x5;
	v61 =	vshll.u32 v60, $0x5;
	v56 =	vsub.f32 v16, v28  }
0x130: {  	[tilespmem:v45+s22+$0x0] =	vst.idx.add.f32.msk $0xffff, v26;
	v59 =	vnsel vm12, $0x80, v38;
	v19 =	vmul.f32 v54, v24;
	v63 =	vmul.f32 v15, v35;
	v62 =	vpop (erf)  }
0x131: {  	[tilespmem:v31+s22+$0x0] =	vst.idx.add.f32.msk $0xffff, v32;
	v18 =	vor.u32 v4, v27;
	v21 =	vshll.u32 v59, $0x5;
	v24 =	vmul.f32 v62, v56  }
0x132: {  	v20 =	vor.u32 v4, v61;
	v14 =	vsub.f32 v14, v19;
	v19 =	vsub.f32 v37, v63  }
0x133: {  	[tilespmem:v3+s22+$0x0] =	vst.idx.add.f32.msk $0xffff, v22;
	v10 =	vtrunc.f32 v10;
	v3 =	vor.u32 v4, v21;
	v21 =	vmul.f32 v24, v41  }
0x134: {  	vm14 =	vlt.s32 v11, $0x80;
	v10 =	vcvt.f32.s32 v10;
	[tilespmem:v1+s21+$0x0] =	vst.idx.add.f32.msk $0xffff, v13;
	v13 =	vsub.f32 v19, v14  }
0x135: {  	v11 =	vnsel vm14, $0x80, v11;
	[tilespmem:v1+s22+$0x0] =	vst.idx.add.f32.msk $0xffff, v52;
	v14 =	vsub.f32 v14, v29;
	v1 =	vsub.f32 v28, v21  }
0x136: {  	v11 =	vshll.u32 v11, $0x5;
	vm15 =	vlt.s32 v10, $0x80;
	v21 =	vsub.f32 v15, v54;
	[tilespmem:v18+s21+$0x0] =	vst.idx.add.f32.msk $0xffff, v13  }
0x137: {  	v11 =	vor.u32 v0, v11;
	v10 =	vnsel vm15, $0x80, v10;
	[tilespmem:v20+s21+$0x0] =	vst.idx.add.f32.msk $0xffff, v14;
	v13 =	vsub.f32 v1, v19  }
0x138: {  	v10 =	vshll.u32 v10, $0x5;
	v15 =	vsub.f32 v24, v15;
	[tilespmem:v18+s22+$0x0] =	vst.idx.add.f32.msk $0xffff, v21  }
0x139: {  	v10 =	vor.u32 v4, v10;
	v14 =	vsub.f32 v54, v36;
	[tilespmem:v3+s21+$0x0] =	vst.idx.add.f32.msk $0xffff, v13  }
0x13a: {  	[tilespmem:v3+s22+$0x0] =	vst.idx.add.f32.msk $0xffff, v15;
	v3 =	vsub.f32 v23, v17  }
0x13b: {  	v12 =	vsub.f32 $0.0e+00, v12;
	[tilespmem:v20+s22+$0x0] =	vst.idx.add.f32.msk $0xffff, v14  }
0x13c: {  	v1 =	vsub.f32 v16, v1;
	[tilespmem:v11+s21+$0x0] =	vst.idx.add.f32.msk $0xffff, v3  }
0x13d: {  	v3 =	vsub.f32 $0.0e+00, v24;
	[tilespmem:v11+s22+$0x0] =	vst.idx.add.f32.msk $0xffff, v12  }
0x13e: {  	[tilespmem:v10+s21+$0x0] =	vst.idx.add.f32.msk $0xffff, v1  }
0x13f: {  	s0 =	simm.s32 $0x193C0;
	[tilespmem:v10+s22+$0x0] =	vst.idx.add.f32.msk $0xffff, v3  }
0x140: {  	v1 =	vld [tilespmem:s0+$0xFFFFFFC0]  }
0x141: {  	s1 =	simm.s32 $0x18340  }
0x142: {  	v3 =	vld [tilespmem:s1+$0xFFFFFFC0]  }
0x143: {  	v10 =	vld [tilespmem:s0+$0xFFFFFFE0]  }
0x144: {  	v15 =	vimm.f32 $0.0e+00;
	v12 =	vld [tilespmem:s0+$0x0]  }
0x145: {  	v13 =	vld [tilespmem:s1+$0xFFFFFFE0];
	v1 =	vadd.f32 v1, v15  }
0x146: {  	v17 =	vimm.f32 $5.000000000e-01;
	v14 =	vld [tilespmem:s0+$0x20]  }
0x147: {  	v11 =	vadd.f32 $1.000000000e+00, v17;
	v18 =	vld [tilespmem:s1+$0x0];
	[tilespmem:s1+$0xFFFFFFC0] =	vst v2;
	v3 =	vadd.f32 v3, v15;
	v16 =	vmul.f32 v1, v17  }
0x148: {  	[tilespmem:s1+$0xFFFFFFE0] =	vst v2;
	v1 =	vadd.f32 v10, v1  }
0x149: {  	v19 =	vld [tilespmem:s1+$0x20];
	[tilespmem:s1+$0x0] =	vst v2;
	v10 =	vadd.f32 $1.000000000e+00, v11;
	v16 =	vadd.f32 v16, v3  }
0x14a: {  	[tilespmem:s0+$0xFFFFFFC0] =	vst v2;
	v20 =	vadd.f32 v12, v1;
	v3 =	vadd.f32 v13, v3  }
0x14b: {  	v1 =	vmul.f32 v1, v11;
	v12 =	vadd.f32 $1.000000000e+00, v10;
	[tilespmem:v6+s15+$0x0] =	vst.idx.msk $0xffff, v16  }
0x14c: {  	[tilespmem:s1+$0x20] =	vst v2;
	v13 =	vadd.f32 v14, v20;
	v18 =	vadd.f32 v18, v3;
	v20 =	vmul.f32 v20, v10;
	v16 =	vld [tilespmem:s0+$0xFFFFFFD0]  }
0x14d: {  	[tilespmem:s0+$0xFFFFFFE0] =	vst v2;
	v1 =	vadd.f32 v1, v3  }
0x14e: {  	[tilespmem:s0+$0x0] =	vst v2;
	v3 =	vmul.f32 v13, v12;
	v14 =	vadd.f32 v19, v18;
	v19 =	vld [tilespmem:s1+$0xFFFFFFD0];
	v20 =	vadd.f32 v20, v18  }
0x14f: {  	[tilespmem:v8+s15+$0x0] =	vst.idx.msk $0xffff, v1  }
0x150: {  	v1 =	vadd.f32 v3, v14;
	v3 =	vld [tilespmem:s0+$0xFFFFFFF0];
	[tilespmem:v7+s15+$0x0] =	vst.idx.msk $0xffff, v20  }
0x151: {  	[tilespmem:s0+$0x20] =	vst v2;
	v20 =	vld [tilespmem:s0+$0x10];
	v21 =	vadd.f32 v16, v15  }
0x152: {  	v16 =	vld [tilespmem:s1+$0xFFFFFFF0];
	[tilespmem:v9+s15+$0x0] =	vst.idx.msk $0xffff, v1  }
0x153: {  	v8 =	vld [tilespmem:s0+$0x30];
	v18 =	vadd.f32 v19, v15;
	v1 =	vmul.f32 v21, v17  }
0x154: {  	[tilespmem:s1+$0xFFFFFFD0] =	vst v2;
	v9 =	vadd.f32 $1.000000000e+00, v12;
	v15 =	vld [tilespmem:s1+$0x30]  }
0x155: {  	s6 =	simm.s32 $0x0;
	s7 =	simm.s32 $0x19440;
	v19 =	vld [tilespmem:s1+$0x10];
	[tilespmem:s1+$0x30] =	vst v2;
	v17 =	vadd.f32 v3, v21;
	v7 =	vadd.f32 v1, v18  }
.LBB2_10:
0x156: {  	v1 =	vld [tilespmem:s7+$0xFFFFFFC0];
	s6 =	sadd.s32 $0x4, s6;
	[tilespmem:s1+$0x10] =	vst v2;
	v3 =	vmov v9  }
0x157: {  	v22 =	vmul.f32 v17, v11;
	v21 =	vld [tilespmem:s7+$0xFFFFFFE0];
	p0 =	slt.u32 s6, $0x7C;
	[tilespmem:s1+$0xFFFFFFF0] =	vst v2;
	s1 =	sadd.s32 $0x80, s1  }
0x158: {  	v23 =	vld [tilespmem:s1+$0xFFFFFFC0];
	[tilespmem:s0+$0x30] =	vst v2  }
0x159: {  	v16 =	vadd.f32 v16, v18;
	[tilespmem:s1+$0xFFFFFFC0] =	vst v2  }
0x15a: {  	[tilespmem:s7+$0xFFFFFFC0] =	vst v2;
	v18 =	vld [tilespmem:s7+$0x0];
	v17 =	vadd.f32 v20, v17  }
0x15b: {  	v6 =	vadd.s32 $0x4, v6;
	v19 =	vadd.f32 v19, v16;
	v1 =	vadd.f32 v1, v13;
	v13 =	vld [tilespmem:s1+$0xFFFFFFE0];
	[tilespmem:s0+$0xFFFFFFF0] =	vst v2  }
0x15c: {  	v11 =	vadd.f32 $1.000000000e+00, v9;
	v22 =	vadd.f32 v22, v16;
	v20 =	vld [tilespmem:s7+$0x20];
	[tilespmem:s0+$0x10] =	vst v2;
	v16 =	vmul.f32 v17, v10  }
0x15d: {  	v14 =	vadd.f32 v23, v14;
	v9 =	vmul.f32 v1, v9;
	v1 =	vadd.f32 v21, v1;
	[tilespmem:s0+$0xFFFFFFD0] =	vst v2;
	s0 =	smov.u32 s7  }
0x15e: {  	v15 =	vadd.f32 v15, v19;
	v10 =	vadd.f32 $1.000000000e+00, v11;
	v23 =	vadd.s32 $0x3, v5;
	[tilespmem:s1+$0xFFFFFFE0] =	vst v2;
	v21 =	vld [tilespmem:s1+$0x0]  }
0x15f: {  	v9 =	vadd.f32 v9, v14;
	v24 =	vmul.f32 v1, v11;
	v1 =	vadd.f32 v18, v1;
	[tilespmem:s1+$0x0] =	vst v2  }
0x160: {  	v25 =	vadd.f32 $1.000000000e+00, v10;
	v18 =	vadd.s32 $0x1, v6;
	v14 =	vadd.f32 v13, v14;
	[tilespmem:s7+$0x0] =	vst v2;
	v26 =	vld [tilespmem:s1+$0x20]  }
0x161: {  	[tilespmem:s7+$0xFFFFFFE0] =	vst v2;
	v27 =	vmul.f32 v1, v10;
	v13 =	vadd.f32 v20, v1;
	v1 =	vadd.f32 v8, v17  }
0x162: {  	v17 =	vadd.s32 $0x2, v6;
	[tilespmem:v6+s15+$0x0] =	vst.idx.msk $0xffff, v9;
	v8 =	vadd.f32 v24, v14;
	v9 =	vadd.f32 $1.000000000e+00, v25  }
0x163: {  	v20 =	vld [tilespmem:s1+$0xFFFFFFD0];
	v21 =	vadd.f32 v21, v14;
	[tilespmem:s1+$0x20] =	vst v2;
	v24 =	vmul.f32 v13, v25;
	v28 =	vmul.f32 v1, v12  }
0x164: {  	v30 =	vadd.s32 $0x3, v6;
	v12 =	vmov v25;
	v29 =	vld [tilespmem:s7+$0xFFFFFFD0];
	[tilespmem:v5+s15+$0x0] =	vst.idx.msk $0xffff, v7;
	v7 =	vadd.f32 v16, v19  }
0x165: {  	v19 =	vadd.s32 $0x2, v5;
	[tilespmem:s1+$0xFFFFFFD0] =	vst v2;
	v14 =	vadd.f32 v26, v21;
	v16 =	vadd.f32 v28, v15  }
0x166: {  	[tilespmem:v18+s15+$0x0] =	vst.idx.msk $0xffff, v8  }
0x167: {  	v25 =	vld [tilespmem:s7+$0xFFFFFFF0];
	v8 =	vadd.f32 v24, v14;
	v24 =	vadd.s32 $0x1, v5;
	[tilespmem:v23+s15+$0x0] =	vst.idx.msk $0xffff, v16  }
0x168: {  	[tilespmem:s7+$0x20] =	vst v2  }
.Ltmp3:
0x169: {  	v21 =	vadd.f32 v27, v21;
	v1 =	vadd.f32 v29, v1;
	v16 =	vld [tilespmem:s1+$0xFFFFFFF0];
	[tilespmem:v30+s15+$0x0] =	vst.idx.msk $0xffff, v8;
	(pc) =	sbr.rel @p0 .LBB2_10-.Ltmp3, $4  }
0x16a: {  	v18 =	vadd.f32 v20, v15;
	v8 =	vld [tilespmem:s7+$0x30];
	[tilespmem:v19+s15+$0x0] =	vst.idx.msk $0xffff, v7  }
0x16b: {  	v5 =	vadd.s32 $0x4, v5;
	v3 =	vmul.f32 v1, v3;
	[tilespmem:v17+s15+$0x0] =	vst.idx.msk $0xffff, v21;
	v15 =	vld [tilespmem:s1+$0x30]  }
0x16c: {  	v17 =	vadd.f32 v25, v1;
	v19 =	vld [tilespmem:s1+$0x10];
	[tilespmem:v24+s15+$0x0] =	vst.idx.msk $0xffff, v22  }
0x16d: {  	s7 =	sadd.s32 $0x80, s7;
	v7 =	vadd.f32 v3, v18;
	v20 =	vld [tilespmem:s0+$0x10];
	[tilespmem:s1+$0x30] =	vst v2  }
0x16e: {  	_ =	sdelay $0x2  }
0x16f: {  	[tilespmem:s1+$0x10] =	vst v2  }
0x170: {  	v1 =	vadd.f32 v16, v18;
	[tilespmem:s1+$0xFFFFFFF0] =	vst v2;
	v3 =	vadd.f32 v20, v17  }
0x171: {  	[tilespmem:s0+$0x30] =	vst v2;
	v62 =	vadd.s32 $0x2, v5;
	v63 =	vadd.s32 $0x1, v5  }
0x172: {  	v11 =	vmul.f32 v17, v11;
	[tilespmem:s0+$0xFFFFFFD0] =	vst v2;
	s31 =	sadd.s32 $0x1, s31;
	v6 =	vadd.f32 v19, v1;
	v8 =	vadd.f32 v8, v3  }
0x173: {  	v9 =	vadd.s32 $0x3, v5;
	[tilespmem:s0+$0xFFFFFFF0] =	vst v2;
	p0 =	sne.s32 s31, $0x4;
	v3 =	vmul.f32 v3, v10  }
.Ltmp4:
0x174: {  	[tilespmem:s0+$0x10] =	vst v2;
	v1 =	vadd.f32 v11, v1;
	v13 =	vadd.f32 v15, v6;
	v8 =	vmul.f32 v8, v12;
	(pc) =	sbr.rel @p0 .LBB2_5-.Ltmp4, $4  }
0x175: {  	[tilespmem:v5+s15+$0x0] =	vst.idx.msk $0xffff, v7;
	v3 =	vadd.f32 v3, v6  }
0x176: {  	[tilespmem:v63+s15+$0x0] =	vst.idx.msk $0xffff, v1;
	v8 =	vadd.f32 v8, v13  }
0x177: {  	[tilespmem:v62+s15+$0x0] =	vst.idx.msk $0xffff, v3  }
0x178: {  	[tilespmem:v9+s15+$0x0] =	vst.idx.msk $0xffff, v8  }
0x179: {  	s0 =	sadd.s32 s9, s30  }
0x17a: {  	s0 =	smul.u32 $0x81, s0;
	_ =	sdelay $0x1  }
0x17b: {  	s1 =	sshll.u32 s28, $0x1;
	s0 =	sshrl.u32 s0, $0x3  }
0x17c: {  	s30 =	simm.s32 $0x0;
	s7 =	smin.u32 s1, $0xD;
	s0 =	sadd.s32 s5, s0  }
0x17d: {  	[hbm4b:s0+s30] =	stream.linear.scatter [tilespmem:s15], [sflag:$0x3], $0x4080, $0x38;
	[tilespmem:$0x1A400] =	vst v63  }
0x17e: {  	s0 =	sshll.u32 s7, $0x7;
	_ =	swait.ge [sflag:s23], $0x4080  }
0x17f: {  	s0 =	sadd.s32 s0, s12;
	[sflag:s23] =	ssyncset.done $0x0  }
0x180: {  	s0 =	smul.u32 $0x81, s0;
	[sflag:s23] =	ssyncadd.s32 $0xFFFFBF80  }
0x181: {  	_ =	swait.ge [sflag:s23], $0x4080  }
0x182: {  	s0 =	sshrl.u32 s0, $0x3;
	[sflag:s23] =	ssyncset.done $0x0  }
0x183: {  	s31 =	sadd.s32 s3, s0;
	[sflag:s23] =	ssyncadd.s32 $0xFFFFBF80  }
0x184: {  	[tilespmem:s30], [sflag:$0x1] =	stream.linear.gather [hbm4b:s31+s30], $0x4080, $0x38;
	[tilespmem:$0x1A400] =	vst v63  }
0x185: {  	s0 =	sadd.s32 s4, s0  }
0x186: {  	[tilespmem:s14], [sflag:$0x1] =	stream.linear.gather [hbm4b:s0+s30], $0x4080, $0x38;
	[tilespmem:$0x1A400] =	vst v63  }
0x187: {  	_ =	swait.ge [sflag:s24], $0x4080  }
0x188: {  	[sflag:s24] =	ssyncset.done $0x0  }
0x189: {  	[sflag:s24] =	ssyncadd.s32 $0xFFFFBF80  }
.LBB2_13:
0x18a: {  	v1 =	vld [tilespmem:$0x1FFF0];
	_ =	sdelay $0x2  }
0x18b: {  	s0 =	smul.u32 $0x1020, s30;
	_ =	sdelay $0x1  }
0x18c: {  	v5 =	vadd.s32 s0, v1;
	v1 =	vld [tilespmem:$0x1FFE0];
	_ =	sdelay $0x3  }
0x18d: {  	v15 =	vadd.s32 $0x1, v5  }
0x18e: {  	v6 =	vadd.s32 s0, v1  }
0x18f: {  	v12 =	vadd.s32 $0x2, v5  }
0x190: {  	v8 =	vadd.s32 $0x1, v6  }
0x191: {  	v13 =	vadd.s32 $0x3, v5;
	v1 =	vld.idx.msk [tilespmem:v5+s19+$0x0], $0xffff  }
0x192: {  	v7 =	vadd.s32 $0x2, v6;
	v20 =	vld.idx.msk [tilespmem:v15+s19+$0x0], $0xffff  }
0x193: {  	v9 =	vadd.s32 $0x3, v6;
	v3 =	vld.idx.msk [tilespmem:v6+s19+$0x0], $0xffff  }
0x194: {  	v14 =	vadd.s32 $0x4, v5;
	v28 =	vld.idx.msk [tilespmem:v12+s19+$0x0], $0xffff;
	v17 =	vadd.s32 $0x4, v6  }
0x195: {  	v21 =	vadd.s32 $0x1, v14;
	v22 =	vld.idx.msk [tilespmem:v8+s19+$0x0], $0xffff  }
0x196: {  	v10 =	vld.idx.msk [tilespmem:v13+s19+$0x0], $0xffff  }
0x197: {  	v11 =	vimm.f32 $0.0e+00;
	v18 =	vadd.s32 $0x1, v17;
	v30 =	vld.idx.msk [tilespmem:v7+s19+$0x0], $0xffff  }
0x198: {  	v19 =	vadd.s32 $0x2, v14;
	v1 =	vadd.f32 v1, v11;
	v24 =	vld.idx.msk [tilespmem:v9+s19+$0x0], $0xffff;
	v3 =	vadd.f32 v3, v11  }
0x199: {  	v29 =	vadd.s32 $0x2, v17;
	v16 =	vld.idx.msk [tilespmem:v17+s19+$0x0], $0xffff  }
0x19a: {  	v23 =	vadd.s32 $0x3, v14;
	v1 =	vadd.f32 v20, v1;
	v20 =	vld.idx.msk [tilespmem:v21+s19+$0x0], $0xffff;
	v3 =	vadd.f32 v22, v3  }
0x19b: {  	v27 =	vadd.s32 $0x3, v17;
	v11 =	vld.idx.msk [tilespmem:v14+s19+$0x0], $0xffff  }
0x19c: {  	v25 =	vld.idx.msk [tilespmem:v18+s19+$0x0], $0xffff;
	v31 =	vadd.f32 v30, v3;
	v30 =	vadd.f32 v28, v1  }
0x19d: {  	v26 =	vadd.s32 $0x4, v14;
	s0 =	simm.s32 $0x4;
	v22 =	vld.idx.msk [tilespmem:v19+s19+$0x0], $0xffff;
	v28 =	vadd.s32 $0x4, v17  }
.LBB2_14:
0x19e: {  	v1 =	vadd.s32 $0x1, v26;
	v3 =	vld.idx.msk [tilespmem:v29+s19+$0x0], $0xffff;
	v24 =	vadd.f32 v24, v31;
	v29 =	vadd.f32 v10, v30  }
0x19f: {  	v30 =	vadd.s32 $0x1, v28;
	s0 =	sadd.s32 $0x4, s0;
	v10 =	vld.idx.msk [tilespmem:v23+s19+$0x0], $0xffff  }
0x1a0: {  	v32 =	vadd.s32 $0x2, v26;
	p0 =	slt.u32 s0, $0x7C;
	v31 =	vadd.f32 v16, v24;
	v33 =	vadd.f32 v11, v29;
	v24 =	vld.idx.msk [tilespmem:v27+s19+$0x0], $0xffff  }
.Ltmp5:
0x1a1: {  	v29 =	vadd.s32 $0x2, v28;
	v11 =	vld.idx.msk [tilespmem:v26+s19+$0x0], $0xffff;
	(pc) =	sbr.rel @p0 .LBB2_14-.Ltmp5, $4  }
0x1a2: {  	v23 =	vadd.s32 $0x3, v26;
	v16 =	vld.idx.msk [tilespmem:v28+s19+$0x0], $0xffff;
	v31 =	vadd.f32 v25, v31;
	v33 =	vadd.f32 v20, v33  }
0x1a3: {  	v27 =	vadd.s32 $0x3, v28;
	v20 =	vld.idx.msk [tilespmem:v1+s19+$0x0], $0xffff  }
0x1a4: {  	v26 =	vadd.s32 $0x4, v26;
	v25 =	vld.idx.msk [tilespmem:v30+s19+$0x0], $0xffff;
	v31 =	vadd.f32 v3, v31;
	v30 =	vadd.f32 v22, v33  }
0x1a5: {  	v28 =	vadd.s32 $0x4, v28;
	v22 =	vld.idx.msk [tilespmem:v32+s19+$0x0], $0xffff  }
0x1a6: {  	_ =	sdelay $0x2  }
0x1a7: {  	v1 =	vadd.f32 v24, v31  }
0x1a8: {  	v3 =	vld.idx.msk [tilespmem:v29+s19+$0x0], $0xffff  }
0x1a9: {  	v1 =	vadd.f32 v16, v1  }
0x1aa: {  	v16 =	vld.idx.msk [tilespmem:v27+s19+$0x0], $0xffff  }
0x1ab: {  	v1 =	vadd.f32 v25, v1;
	_ =	sdelay $0x1  }
0x1ac: {  	v1 =	vadd.f32 v3, v1;
	_ =	sdelay $0x1  }
0x1ad: {  	v1 =	vadd.f32 v16, v1;
	_ =	sdelay $0x1  }
0x1ae: {  	(erf) = vrcp.f32 v1;
	_ =	sdelay $0x4  }
0x1af: {  	v1 =	vld.idx.msk [tilespmem:v6+s19+$0x0], $0xffff;
	_ =	sdelay $0x1  }
0x1b0: {  	v3 =	vadd.f32 v10, v30;
	_ =	sdelay $0x1  }
0x1b1: {  	v10 =	vld.idx.msk [tilespmem:v8+s19+$0x0], $0xffff;
	v3 =	vadd.f32 v11, v3;
	v16 =	vimm.f32 $0.0e+00;
	v11 =	vpop (erf)  }
0x1b2: {  	v23 =	vld.idx.msk [tilespmem:v23+s19+$0x0], $0xffff;
	v1 =	vadd.f32 v1, v16;
	v11 =	vmul.f32 $1.280000000e+02, v11  }
0x1b3: {  	v24 =	vld.idx.msk [tilespmem:v7+s19+$0x0], $0xffff;
	v3 =	vadd.f32 v20, v3  }
0x1b4: {  	v20 =	vmul.f32 v1, v11  }
0x1b5: {  	v3 =	vadd.f32 v22, v3  }
0x1b6: {  	v1 =	vadd.f32 v10, v1;
	v10 =	vsub.f32 v20, v16  }
0x1b7: {  	v3 =	vadd.f32 v23, v3  }
0x1b8: {  	v22 =	vadd.f32 v24, v1;
	vm0 =	vlt.f32 v10, $1.279999970e-03  }
0x1b9: {  	(erf) = vrcp.f32 v3;
	v1 =	vmul.f32 v1, v11;
	v3 =	vsel vm0, $0x43000000, v10  }
0x1ba: {  	v24 =	vmul.f32 v22, v11;
	(erf) = vrcp.f32 v3;
	v3 =	vld.idx.msk [tilespmem:v9+s19+$0x0], $0xffff;
	_ =	sdelay $0x1  }
0x1bb: {  	v27 =	vld.idx.msk [tilespmem:v8+s18+$0x0], $0xffff;
	v23 =	vadd.f32 $1.258291200e+07, v16;
	v10 =	vsub.f32 v24, v1  }
0x1bc: {  	v30 =	vld.idx.msk [tilespmem:v7+s18+$0x0], $0xffff;
	v25 =	vsub.f32 v1, v20  }
0x1bd: {  	v23 =	vadd.f32 $-1.258291200e+07, v23;
	vm0 =	vlt.f32 v10, $1.279999970e-03  }
0x1be: {  	v26 =	vld.idx.msk [tilespmem:v6+s18+$0x0], $0xffff;
	vm1 =	vlt.f32 v25, $1.279999970e-03;
	v10 =	vsel vm0, $0x43000000, v10;
	v3 =	vadd.f32 v3, v22  }
0x1bf: {  	v28 =	vadd.f32 $1.258291200e+07, v20;
	v25 =	vsel vm1, $0x43000000, v25;
	(erf) = vrcp.f32 v10  }
0x1c0: {  	v37 =	vadd.f32 $1.258291200e+07, v24;
	(erf) = vrcp.f32 v25;
	v29 =	vmul.f32 v3, v11  }
0x1c1: {  	v34 =	vld.idx.msk [tilespmem:v9+s18+$0x0], $0xffff;
	v51 =	vsub.f32 v30, v27;
	v22 =	vadd.f32 $-1.258291200e+07, v28  }
0x1c2: {  	v37 =	vadd.f32 $-1.258291200e+07, v37;
	v10 =	vtrunc.f32 v23;
	v32 =	vsub.f32 v29, v24  }
0x1c3: {  	v23 =	vsub.f32 v27, v26;
	v28 =	vpop (erf);
	v25 =	vadd.f32 $1.258291200e+07, v1;
	v22 =	vtrunc.f32 v22  }
0x1c4: {  	v10 =	vcvt.f32.s32 v10;
	v22 =	vcvt.f32.s32 v22;
	v31 =	vpop (erf);
	vm1 =	vlt.f32 v32, $1.279999970e-03  }
0x1c5: {  	v31 =	vmul.f32 v31, v23;
	v23 =	vadd.f32 $-1.258291200e+07, v25;
	v25 =	vsel vm1, $0x43000000, v32  }
0x1c6: {  	v52 =	vsub.f32 v34, v30;
	v37 =	vtrunc.f32 v37;
	vm0 =	vlt.s32 v10, $0x80  }
0x1c7: {  	v10 =	vnsel vm0, $0x80, v10;
	vm0 =	vlt.s32 v22, $0x80;
	(erf) = vrcp.f32 v25  }
0x1c8: {  	v53 =	vld.idx.msk [tilespmem:v17+s19+$0x0], $0xffff;
	v33 =	vshll.u32 v10, $0x5;
	v22 =	vnsel vm0, $0x80, v22;
	v10 =	vmul.f32 v31, v16;
	v25 =	vpop (erf)  }
0x1c9: {  	v36 =	vor.u32 v0, v33;
	v23 =	vtrunc.f32 v23;
	v22 =	vshll.u32 v22, $0x5;
	v38 =	vpop (erf)  }
0x1ca: {  	v35 =	vcvt.f32.s32 v23;
	v23 =	vld.idx.msk [tilespmem:v17+s18+$0x0], $0xffff;
	v10 =	vsub.f32 v26, v10;
	v26 =	vmul.f32 v38, v51  }
0x1cb: {  	v37 =	vcvt.f32.s32 v37;
	v40 =	vor.u32 v0, v22;
	v32 =	vmul.f32 v25, v52  }
0x1cc: {  	v41 =	vld.idx.msk [tilespmem:v18+s19+$0x0], $0xffff;
	v22 =	vsub.f32 v31, v16;
	v39 =	vsub.f32 v10, v16;
	v20 =	vmul.f32 v26, v20  }
0x1cd: {  	v3 =	vadd.f32 v53, v3;
	vm0 =	vlt.s32 v35, $0x80;
	v25 =	vld.idx.msk [tilespmem:v5+s18+$0x0], $0xffff;
	v1 =	vmul.f32 v32, v1  }
0x1ce: {  	v35 =	vnsel vm0, $0x80, v35;
	vm0 =	vlt.s32 v37, $0x80;
	[tilespmem:v36+s21+$0x0] =	vst.idx.add.f32.msk $0xffff, v39;
	v20 =	vsub.f32 v27, v20  }
0x1cf: {  	v54 =	vsub.f32 v23, v34;
	[tilespmem:v36+s22+$0x0] =	vst.idx.add.f32.msk $0xffff, v22;
	v1 =	vsub.f32 v30, v1;
	v27 =	vshll.u32 v35, $0x5  }
0x1d0: {  	v30 =	vsub.f32 v26, v31;
	v27 =	vor.u32 v0, v27;
	v22 =	vpop (erf);
	v10 =	vsub.f32 v20, v10  }
0x1d1: {  	v36 =	vld.idx.msk [tilespmem:v5+s19+$0x0], $0xffff;
	v26 =	vsub.f32 v32, v26;
	v35 =	vmul.f32 v22, v54;
	v22 =	vmul.f32 v3, v11  }
0x1d2: {  	v31 =	vnsel vm0, $0x80, v37;
	v20 =	vsub.f32 v1, v20;
	v3 =	vadd.f32 v41, v3;
	[tilespmem:v40+s21+$0x0] =	vst.idx.add.f32.msk $0xffff, v10  }
0x1d3: {  	v10 =	vmul.f32 $1.280000000e+02, v28;
	v28 =	vadd.f32 $1.258291200e+07, v29;
	v24 =	vmul.f32 v35, v24;
	[tilespmem:v40+s22+$0x0] =	vst.idx.add.f32.msk $0xffff, v30  }
0x1d4: {  	v56 =	vadd.f32 $1.258291200e+07, v22;
	v44 =	vmul.f32 v3, v11;
	v30 =	vsub.f32 v22, v29;
	v55 =	vld.idx.msk [tilespmem:v15+s19+$0x0], $0xffff  }
0x1d5: {  	v31 =	vshll.u32 v31, $0x5;
	v28 =	vadd.f32 $-1.258291200e+07, v28;
	[tilespmem:v27+s21+$0x0] =	vst.idx.add.f32.msk $0xffff, v20;
	v34 =	vsub.f32 v34, v24  }
0x1d6: {  	v31 =	vor.u32 v0, v31;
	v20 =	vadd.f32 v36, v16;
	v36 =	vld.idx.msk [tilespmem:v15+s18+$0x0], $0xffff;
	v46 =	vsub.f32 v44, v22  }
0x1d7: {  	v41 =	vld.idx.msk [tilespmem:v12+s18+$0x0], $0xffff;
	v47 =	vadd.f32 $1.258291200e+07, v44;
	vm0 =	vlt.f32 v30, $1.279999970e-03;
	v24 =	vtrunc.f32 v28  }
0x1d8: {  	[tilespmem:v27+s22+$0x0] =	vst.idx.add.f32.msk $0xffff, v26;
	v28 =	vadd.s32 $0x2, v17;
	v26 =	vsel vm0, $0x43000000, v30;
	v1 =	vsub.f32 v34, v1  }
0x1d9: {  	v27 =	vld.idx.msk [tilespmem:v12+s19+$0x0], $0xffff;
	v38 =	vmul.f32 v20, v10;
	v47 =	vadd.f32 $-1.258291200e+07, v47;
	(erf) = vrcp.f32 v26  }
0x1da: {  	v30 =	vld.idx.msk [tilespmem:v18+s18+$0x0], $0xffff;
	v24 =	vcvt.f32.s32 v24;
	v26 =	vsub.f32 v35, v32;
	v32 =	vadd.f32 $-1.258291200e+07, v56  }
0x1db: {  	v57 =	vadd.s32 $0x3, v17;
	v18 =	vor.u32 v4, v33;
	[tilespmem:v31+s21+$0x0] =	vst.idx.add.f32.msk $0xffff, v1;
	v1 =	vsub.f32 v38, v16  }
0x1dc: {  	v56 =	vtrunc.f32 v47;
	vm0 =	vlt.s32 v24, $0x80;
	[tilespmem:v31+s22+$0x0] =	vst.idx.add.f32.msk $0xffff, v26;
	v26 =	vtrunc.f32 v32  }
0x1dd: {  	v58 =	vadd.f32 v55, v20;
	v24 =	vnsel vm0, $0x80, v24;
	vm0 =	vlt.f32 v1, $1.279999970e-03  }
0x1de: {  	v45 =	vsub.f32 v36, v25;
	v51 =	vsub.f32 v41, v36;
	v31 =	vld.idx.msk [tilespmem:v13+s19+$0x0], $0xffff;
	v1 =	vsel vm0, $0x43000000, v1  }
0x1df: {  	v37 =	vld.idx.msk [tilespmem:v28+s18+$0x0], $0xffff;
	v59 =	vshll.u32 v24, $0x5;
	v24 =	vcvt.f32.s32 v26;
	v20 =	vmul.f32 v58, v10  }
0x1e0: {  	v26 =	vld.idx.msk [tilespmem:v57+s18+$0x0], $0xffff;
	v27 =	vadd.f32 v27, v58;
	v60 =	vsub.f32 v30, v23;
	v58 =	vcvt.f32.s32 v56  }
0x1e1: {  	v61 =	vld.idx.msk [tilespmem:v28+s19+$0x0], $0xffff;
	(erf) = vrcp.f32 v1;
	v1 =	vadd.f32 $1.258291200e+07, v38;
	vm0 =	vlt.s32 v24, $0x80  }
0x1e2: {  	v42 =	vsub.f32 v20, v38;
	v28 =	vmul.f32 v27, v10;
	v62 =	vadd.f32 $1.258291200e+07, v20  }
0x1e3: {  	v43 =	vnsel vm0, $0x80, v24;
	v24 =	vadd.s32 $0x4, v17;
	v1 =	vadd.f32 $-1.258291200e+07, v1  }
0x1e4: {  	v27 =	vadd.f32 v31, v27;
	v31 =	vor.u32 v0, v59;
	v63 =	vsub.f32 v28, v20  }
0x1e5: {  	vm0 =	vlt.f32 v42, $1.279999970e-03;
	v33 =	vadd.f32 $-1.258291200e+07, v62;
	v32 =	vsub.f32 v37, v30  }
0x1e6: {  	v39 =	vld.idx.msk [tilespmem:v57+s19+$0x0], $0xffff;
	v43 =	vshll.u32 v43, $0x5;
	v40 =	vsub.f32 v26, v37;
	v3 =	vadd.f32 v61, v3  }
0x1e7: {  	v17 =	vpop (erf);
	v42 =	vsel vm0, $0x43000000, v42;
	vm0 =	vlt.f32 v46, $1.279999970e-03;
	v43 =	vor.u32 v0, v43  }
0x1e8: {  	v1 =	vtrunc.f32 v1;
	v15 =	vmul.f32 v17, v60;
	v17 =	vadd.f32 $1.258291200e+07, v28  }
0x1e9: {  	v12 =	vmul.f32 v27, v10;
	vm1 =	vlt.f32 v63, $1.279999970e-03;
	(erf) = vrcp.f32 v42  }
0x1ea: {  	v54 =	vsel vm0, $0x43000000, v46;
	v1 =	vcvt.f32.s32 v1;
	v49 =	vmul.f32 v3, v11  }
0x1eb: {  	v53 =	vsel vm1, $0x43000000, v63;
	v3 =	vadd.f32 v39, v3;
	v17 =	vadd.f32 $-1.258291200e+07, v17  }
0x1ec: {  	v29 =	vmul.f32 v15, v29;
	(erf) = vrcp.f32 v53;
	v57 =	vsub.f32 v12, v28  }
0x1ed: {  	v35 =	vsub.f32 v15, v35;
	v50 =	vsub.f32 v49, v44;
	v48 =	vpop (erf);
	v59 =	vtrunc.f32 v17  }
0x1ee: {  	vm0 =	vlt.f32 v57, $1.279999970e-03;
	v53 =	vsub.f32 v23, v29;
	v48 =	vmul.f32 v48, v45  }
0x1ef: {  	vm1 =	vlt.f32 v50, $1.279999970e-03;
	v45 =	vmul.f32 v3, v11;
	v47 =	vsel vm0, $0x43000000, v57  }
0x1f0: {  	v46 =	vld.idx.msk [tilespmem:v13+s18+$0x0], $0xffff;
	v39 =	vcvt.f32.s32 v59;
	v55 =	vsel vm1, $0x43000000, v50;
	v50 =	vadd.f32 $1.258291200e+07, v12  }
0x1f1: {  	v17 =	vld.idx.msk [tilespmem:v24+s18+$0x0], $0xffff;
	vm1 =	vlt.s32 v58, $0x80;
	v34 =	vsub.f32 v53, v34;
	(erf) = vrcp.f32 v55  }
0x1f2: {  	v23 =	vld.idx.msk [tilespmem:v14+s18+$0x0], $0xffff;
	v52 =	vsub.f32 v48, v16;
	v42 =	vnsel vm1, $0x80, v58;
	(erf) = vrcp.f32 v54  }
0x1f3: {  	v13 =	vmul.f32 v48, v16;
	v29 =	vsub.f32 v45, v49;
	v62 =	vadd.f32 $1.258291200e+07, v45  }
0x1f4: {  	vm1 =	vlt.s32 v39, $0x80;
	v42 =	vshll.u32 v42, $0x5;
	v54 =	vadd.f32 $1.258291200e+07, v49  }
0x1f5: {  	v39 =	vnsel vm1, $0x80, v39;
	vm1 =	vlt.s32 v1, $0x80;
	v25 =	vsub.f32 v25, v13  }
0x1f6: {  	vm0 =	vlt.f32 v29, $1.279999970e-03;
	v56 =	vsub.f32 v17, v26;
	v13 =	vtrunc.f32 v33  }
0x1f7: {  	[tilespmem:v31+s21+$0x0] =	vst.idx.add.f32.msk $0xffff, v34;
	v55 =	vpop (erf);
	v58 =	vsub.f32 v23, v46;
	v1 =	vnsel vm1, $0x80, v1;
	v60 =	vsel vm0, $0x43000000, v29  }
0x1f8: {  	[tilespmem:v31+s22+$0x0] =	vst.idx.add.f32.msk $0xffff, v35;
	v54 =	vadd.f32 $-1.258291200e+07, v54;
	v29 =	vmul.f32 v55, v51;
	v13 =	vcvt.f32.s32 v13  }
0x1f9: {  	v42 =	vor.u32 v0, v42;
	v51 =	vld.idx.msk [tilespmem:v14+s19+$0x0], $0xffff;
	v1 =	vshll.u32 v1, $0x5;
	v57 =	vpop (erf);
	(erf) = vrcp.f32 v60  }
0x1fa: {  	v54 =	vtrunc.f32 v54;
	vm0 =	vlt.s32 v13, $0x80;
	v60 =	vmul.f32 v29, v38;
	v61 =	vpop (erf)  }
0x1fb: {  	v33 =	vcvt.f32.s32 v54;
	v54 =	vsub.f32 v25, v16;
	v16 =	vadd.f32 $-1.258291200e+07, v62;
	v63 =	vpop (erf)  }
0x1fc: {  	(erf) = vrcp.f32 v47;
	v13 =	vnsel vm0, $0x80, v13;
	v32 =	vmul.f32 v63, v32  }
0x1fd: {  	v59 =	vshll.u32 v13, $0x5;
	vm0 =	vlt.s32 v33, $0x80;
	v16 =	vtrunc.f32 v16  }
0x1fe: {  	v27 =	vadd.f32 v51, v27;
	v51 =	vadd.s32 $0x3, v24;
	v22 =	vmul.f32 v32, v22  }
0x1ff: {  	v13 =	vnsel vm0, $0x80, v33;
	v16 =	vcvt.f32.s32 v16;
	v40 =	vmul.f32 v61, v40  }
0x200: {  	v55 =	vshll.u32 v13, $0x5;
	v61 =	vadd.f32 $-1.258291200e+07, v50;
	v30 =	vsub.f32 v30, v22;
	v22 =	vld.idx.msk [tilespmem:v24+s19+$0x0], $0xffff  }
0x201: {  	v13 =	vsub.f32 v29, v48;
	vm0 =	vlt.s32 v16, $0x80;
	v48 =	vor.u32 v0, v55  }
0x202: {  	v44 =	vmul.f32 v40, v44;
	v33 =	vtrunc.f32 v61;
	v16 =	vnsel vm0, $0x80, v16  }
0x203: {  	v61 =	vadd.s32 $0x2, v24;
	v62 =	vcvt.f32.s32 v33;
	v15 =	vsub.f32 v32, v15  }
0x204: {  	v50 =	vshll.u32 v16, $0x5;
	v32 =	vsub.f32 v40, v32;
	v37 =	vsub.f32 v37, v44  }
0x205: {  	v33 =	vadd.s32 $0x3, v14;
	v16 =	vpop (erf);
	v63 =	vsub.f32 v30, v53;
	v3 =	vadd.f32 v22, v3  }
0x206: {  	[tilespmem:v18+s21+$0x0] =	vst.idx.add.f32.msk $0xffff, v54;
	vm0 =	vlt.s32 v62, $0x80;
	v35 =	vmul.f32 v16, v56;
	v30 =	vsub.f32 v37, v30  }
0x207: {  	v44 =	vsub.f32 v46, v41;
	v31 =	vnsel vm0, $0x80, v62;
	[tilespmem:v43+s21+$0x0] =	vst.idx.add.f32.msk $0xffff, v63;
	v22 =	vmul.f32 v3, v11  }
0x208: {  	v16 =	vadd.s32 $0x4, v14;
	v31 =	vshll.u32 v31, $0x5;
	v38 =	vmul.f32 v35, v49;
	[tilespmem:v42+s21+$0x0] =	vst.idx.add.f32.msk $0xffff, v30  }
0x209: {  	v14 =	vadd.s32 $0x1, v16;
	[tilespmem:v43+s22+$0x0] =	vst.idx.add.f32.msk $0xffff, v15;
	v43 =	vadd.s32 $0x1, v24;
	v53 =	vsub.f32 v22, v45  }
0x20a: {  	v40 =	vsub.f32 v35, v40;
	v15 =	vor.u32 v4, v31;
	v38 =	vsub.f32 v26, v38;
	v49 =	vld.idx.msk [tilespmem:v21+s19+$0x0], $0xffff  }
0x20b: {  	[tilespmem:v42+s22+$0x0] =	vst.idx.add.f32.msk $0xffff, v32;
	v32 =	vmul.f32 v27, v10;
	v56 =	vadd.f32 $1.258291200e+07, v22;
	vm0 =	vlt.f32 v53, $1.279999970e-03  }
0x20c: {  	[tilespmem:v18+s22+$0x0] =	vst.idx.add.f32.msk $0xffff, v52;
	v42 =	vor.u32 v4, v59;
	v34 =	vsub.f32 v38, v37;
	v30 =	vsel vm0, $0x43000000, v53  }
0x20d: {  	v31 =	vld.idx.msk [tilespmem:v19+s19+$0x0], $0xffff;
	v37 =	vadd.f32 $1.258291200e+07, v32;
	v26 =	vadd.f32 $-1.258291200e+07, v56;
	(erf) = vrcp.f32 v30  }
0x20e: {  	v54 =	vld.idx.msk [tilespmem:v43+s19+$0x0], $0xffff;
	v56 =	vmul.f32 v57, v44;
	v57 =	vsub.f32 v36, v60;
	v44 =	vor.u32 v0, v50  }
0x20f: {  	[tilespmem:v48+s21+$0x0] =	vst.idx.add.f32.msk $0xffff, v34;
	v18 =	vtrunc.f32 v26;
	v30 =	vadd.f32 v49, v27;
	v49 =	vsub.f32 v32, v12  }
0x210: {  	v27 =	vor.u32 v4, v1;
	v1 =	vshll.u32 v39, $0x5;
	v26 =	vld.idx.msk [tilespmem:v43+s18+$0x0], $0xffff;
	v59 =	vmul.f32 v56, v20  }
0x211: {  	[tilespmem:v48+s22+$0x0] =	vst.idx.add.f32.msk $0xffff, v40;
	v63 =	vcvt.f32.s32 v18;
	v18 =	vmul.f32 v30, v10;
	vm1 =	vlt.f32 v49, $1.279999970e-03  }
0x212: {  	v34 =	vor.u32 v4, v1;
	v1 =	vld.idx.msk [tilespmem:v33+s19+$0x0], $0xffff;
	v47 =	vadd.f32 v31, v30;
	v39 =	vsel vm1, $0x43000000, v49  }
0x213: {  	v31 =	vld.idx.msk [tilespmem:v61+s18+$0x0], $0xffff;
	v50 =	vadd.f32 v54, v3;
	v55 =	vsub.f32 v18, v32;
	v30 =	vpop (erf);
	(erf) = vrcp.f32 v39  }
0x214: {  	v20 =	vmul.f32 v47, v10;
	v52 =	vmul.f32 v30, v58;
	v30 =	vadd.s32 $0x4, v24;
	v24 =	vld.idx.msk [tilespmem:v51+s18+$0x0], $0xffff  }
0x215: {  	vm0 =	vlt.s32 v63, $0x80;
	v60 =	vsub.f32 v26, v17;
	v58 =	vsub.f32 v41, v59  }
0x216: {  	v21 =	vld.idx.msk [tilespmem:v21+s18+$0x0], $0xffff;
	v40 =	vnsel vm0, $0x80, v63;
	v59 =	vadd.f32 $1.258291200e+07, v20;
	v39 =	vsub.f32 v52, v56;
	v63 =	vpop (erf)  }
0x217: {  	v19 =	vld.idx.msk [tilespmem:v19+s18+$0x0], $0xffff;
	v62 =	vmul.f32 v52, v28;
	v28 =	vadd.f32 v1, v47;
	v41 =	vmul.f32 v63, v60  }
0x218: {  	v48 =	vld.idx.msk [tilespmem:v61+s19+$0x0], $0xffff;
	vm0 =	vlt.f32 v55, $1.279999970e-03;
	v43 =	vsub.f32 v31, v26;
	v47 =	vsub.f32 v58, v57  }
0x219: {  	s0 =	simm.s32 $0x8;
	v36 =	vmovc v23;
	v49 =	vsub.f32 v46, v62;
	v54 =	vmul.f32 v41, v45;
	v45 =	vsub.f32 v24, v31  }
.LBB2_16:
0x21a: {  	s0 =	sadd.s32 $0x4, s0;
	v53 =	vmul.f32 v50, v11;
	v1 =	vadd.f32 $1.258291200e+07, v18;
	v3 =	vsub.f32 v56, v29  }
0x21b: {  	v23 =	vsub.f32 v21, v23;
	v46 =	vmul.f32 v28, v10;
	v25 =	vsub.f32 v57, v25;
	p0 =	slt.u32 s0, $0x7C;
	v29 =	vld.idx.msk [tilespmem:v51+s19+$0x0], $0xffff  }
0x21c: {  	v55 =	vsel vm0, $0x43000000, v55;
	v51 =	vsub.f32 v53, v22;
	v56 =	vadd.f32 $1.258291200e+07, v53;
	v57 =	vpop (erf);
	[tilespmem:v42+s21+$0x0] =	vst.idx.add.f32.msk $0xffff, v47  }
0x21d: {  	v57 =	vmul.f32 v57, v23;
	v23 =	vadd.f32 $-1.258291200e+07, v59;
	[tilespmem:v42+s22+$0x0] =	vst.idx.add.f32.msk $0xffff, v3;
	v3 =	vsub.f32 v49, v58  }
0x21e: {  	vm0 =	vlt.f32 v51, $1.279999970e-03;
	v42 =	vadd.f32 $-1.258291200e+07, v56;
	v56 =	vsub.f32 v19, v21;
	[tilespmem:v27+s21+$0x0] =	vst.idx.add.f32.msk $0xffff, v25  }
0x21f: {  	v25 =	vsub.f32 v20, v18;
	v51 =	vsel vm0, $0x43000000, v51;
	v23 =	vtrunc.f32 v23;
	[tilespmem:v34+s21+$0x0] =	vst.idx.add.f32.msk $0xffff, v3  }
0x220: {  	v3 =	vtrunc.f32 v42;
	v42 =	vsub.f32 v46, v20;
	(erf) = vrcp.f32 v55;
	[tilespmem:v34+s22+$0x0] =	vst.idx.add.f32.msk $0xffff, v39  }
0x221: {  	v55 =	vadd.f32 $1.258291200e+07, v46;
	vm0 =	vlt.f32 v25, $1.279999970e-03;
	v3 =	vcvt.f32.s32 v3;
	[tilespmem:v27+s22+$0x0] =	vst.idx.add.f32.msk $0xffff, v13  }
0x222: {  	v13 =	vsub.f32 v57, v52;
	v25 =	vsel vm0, $0x43000000, v25;
	vm0 =	vlt.f32 v42, $1.279999970e-03  }
0x223: {  	v34 =	vadd.f32 v48, v50;
	vm1 =	vlt.s32 v3, $0x80;
	v50 =	vld.idx.msk [tilespmem:v30+s18+$0x0], $0xffff;
	(erf) = vrcp.f32 v25  }
0x224: {  	v27 =	vsel vm0, $0x43000000, v42;
	v42 =	vcvt.f32.s32 v23;
	v3 =	vnsel vm1, $0x80, v3  }
0x225: {  	v52 =	vmul.f32 v34, v11;
	v58 =	vadd.f32 v29, v34;
	v3 =	vshll.u32 v3, $0x5;
	v47 =	vld.idx.msk [tilespmem:v33+s18+$0x0], $0xffff  }
0x226: {  	v54 =	vsub.f32 v17, v54;
	v1 =	vadd.f32 $-1.258291200e+07, v1;
	v39 =	vmul.f32 v57, v12;
	v12 =	vmovc v46;
	v23 =	vld.idx.msk [tilespmem:v16+s18+$0x0], $0xffff  }
0x227: {  	v29 =	vsub.f32 v52, v53;
	v48 =	vmul.f32 v58, v11;
	v33 =	vadd.f32 $1.258291200e+07, v52  }
0x228: {  	v35 =	vsub.f32 v41, v35;
	v25 =	vsub.f32 v36, v39;
	v17 =	vmov v50  }
0x229: {  	v1 =	vtrunc.f32 v1;
	vm0 =	vlt.f32 v29, $1.279999970e-03;
	v59 =	vsub.f32 v50, v24;
	v34 =	vpop (erf)  }
0x22a: {  	v39 =	vsel vm0, $0x43000000, v29;
	v33 =	vadd.f32 $-1.258291200e+07, v33;
	v29 =	vmul.f32 v34, v56  }
0x22b: {  	v1 =	vcvt.f32.s32 v1;
	v56 =	vadd.f32 $1.258291200e+07, v48;
	(erf) = vrcp.f32 v39;
	v36 =	vmovc v23  }
0x22c: {  	v38 =	vsub.f32 v54, v38;
	v39 =	vsub.f32 v23, v47;
	(erf) = vrcp.f32 v51;
	v34 =	vpop (erf)  }
0x22d: {  	vm1 =	vlt.s32 v42, $0x80;
	vm0 =	vlt.s32 v1, $0x80;
	v33 =	vtrunc.f32 v33  }
0x22e: {  	v49 =	vsub.f32 v25, v49;
	v33 =	vcvt.f32.s32 v33;
	[tilespmem:v44+s21+$0x0] =	vst.idx.add.f32.msk $0xffff, v38;
	v38 =	vsub.f32 v48, v52  }
0x22f: {  	v60 =	vnsel vm1, $0x80, v42;
	v1 =	vnsel vm0, $0x80, v1;
	[tilespmem:v44+s22+$0x0] =	vst.idx.add.f32.msk $0xffff, v35;
	v44 =	vsub.f32 v47, v19  }
0x230: {  	v42 =	vshll.u32 v1, $0x5;
	vm1 =	vlt.s32 v33, $0x80;
	v51 =	vld.idx.msk [tilespmem:v16+s19+$0x0], $0xffff;
	vm0 =	vlt.f32 v38, $1.279999970e-03  }
0x231: {  	v1 =	vadd.f32 $-1.258291200e+07, v56;
	v33 =	vnsel vm1, $0x80, v33;
	v35 =	vsel vm0, $0x43000000, v38;
	[tilespmem:v15+s21+$0x0] =	vst.idx.add.f32.msk $0xffff, v49  }
0x232: {  	v38 =	vshll.u32 v33, $0x5;
	v49 =	vmul.f32 v29, v32;
	(erf) = vrcp.f32 v35;
	[tilespmem:v15+s22+$0x0] =	vst.idx.add.f32.msk $0xffff, v13  }
0x233: {  	v1 =	vtrunc.f32 v1;
	v32 =	vadd.f32 $-1.258291200e+07, v55;
	v13 =	vsub.f32 v29, v57;
	v15 =	vld.idx.msk [tilespmem:v30+s19+$0x0], $0xffff  }
0x234: {  	v1 =	vcvt.f32.s32 v1;
	v35 =	vadd.f32 $-1.258291200e+07, v37;
	v33 =	vpop (erf)  }
0x235: {  	v37 =	vshll.u32 v40, $0x5;
	v32 =	vtrunc.f32 v32;
	v40 =	vmul.f32 v33, v45;
	v33 =	vpop (erf)  }
0x236: {  	vm0 =	vlt.s32 v1, $0x80;
	v37 =	vor.u32 v0, v37;
	v43 =	vmul.f32 v33, v43  }
0x237: {  	v1 =	vnsel vm0, $0x80, v1;
	v35 =	vtrunc.f32 v35;
	v33 =	vmul.f32 v40, v53  }
0x238: {  	v3 =	vor.u32 v0, v3;
	v1 =	vshll.u32 v1, $0x5;
	v55 =	vmul.f32 v43, v22  }
0x239: {  	v32 =	vcvt.f32.s32 v32;
	v45 =	vcvt.f32.s32 v35;
	v31 =	vsub.f32 v31, v33  }
0x23a: {  	v53 =	vadd.s32 $0x2, v16;
	v33 =	vadd.s32 $0x3, v16;
	v26 =	vsub.f32 v26, v55  }
0x23b: {  	vm0 =	vlt.s32 v32, $0x80;
	vm1 =	vlt.s32 v45, $0x80;
	v41 =	vsub.f32 v43, v41;
	v22 =	vpop (erf)  }
0x23c: {  	v32 =	vnsel vm0, $0x80, v32;
	v55 =	vor.u32 v0, v38;
	v54 =	vsub.f32 v26, v54  }
0x23d: {  	v61 =	vadd.f32 v15, v58;
	v15 =	vnsel vm1, $0x80, v45;
	v35 =	vmul.f32 v22, v59  }
0x23e: {  	v32 =	vshll.u32 v32, $0x5;
	v43 =	vsub.f32 v40, v43;
	v45 =	vshll.u32 v15, $0x5;
	[tilespmem:v37+s21+$0x0] =	vst.idx.add.f32.msk $0xffff, v54  }
0x23f: {  	v16 =	vadd.s32 $0x4, v16;
	v22 =	vmul.f32 v61, v11;
	v26 =	vsub.f32 v31, v26;
	[tilespmem:v37+s22+$0x0] =	vst.idx.add.f32.msk $0xffff, v41  }
0x240: {  	v38 =	vmul.f32 v35, v52;
	v40 =	vsub.f32 v35, v40;
	v41 =	vadd.s32 $0x1, v30;
	v37 =	vld.idx.msk [tilespmem:v14+s19+$0x0], $0xffff  }
0x241: {  	v52 =	vsub.f32 v22, v48;
	v54 =	vadd.f32 $1.258291200e+07, v22;
	v59 =	vld.idx.msk [tilespmem:v53+s18+$0x0], $0xffff;
	(erf) = vrcp.f32 v27  }
0x242: {  	v15 =	vor.u32 v4, v32;
	v62 =	vadd.s32 $0x1, v16;
	v38 =	vsub.f32 v24, v38;
	[tilespmem:v3+s21+$0x0] =	vst.idx.add.f32.msk $0xffff, v26  }
0x243: {  	v63 =	vadd.s32 $0x2, v30;
	vm0 =	vlt.f32 v52, $1.279999970e-03;
	v24 =	vadd.f32 $-1.258291200e+07, v54;
	[tilespmem:v3+s22+$0x0] =	vst.idx.add.f32.msk $0xffff, v43  }
0x244: {  	v27 =	vadd.f32 v51, v28;
	v31 =	vsub.f32 v38, v31;
	v3 =	vsel vm0, $0x43000000, v52;
	v28 =	vld.idx.msk [tilespmem:v53+s19+$0x0], $0xffff  }
0x245: {  	v51 =	vadd.s32 $0x3, v30;
	v26 =	vld.idx.msk [tilespmem:v41+s18+$0x0], $0xffff;
	(erf) = vrcp.f32 v3  }
0x246: {  	v32 =	vmul.f32 v27, v10;
	v3 =	vtrunc.f32 v24;
	v24 =	vadd.f32 v37, v27;
	[tilespmem:v55+s21+$0x0] =	vst.idx.add.f32.msk $0xffff, v31  }
0x247: {  	v27 =	vor.u32 v4, v45;
	v3 =	vcvt.f32.s32 v3;
	[tilespmem:v55+s22+$0x0] =	vst.idx.add.f32.msk $0xffff, v40;
	v40 =	vshll.u32 v60, $0x5  }
0x248: {  	v56 =	vmul.f32 v34, v44;
	v43 =	vsub.f32 v32, v46;
	v45 =	vmul.f32 v24, v10;
	v46 =	vld.idx.msk [tilespmem:v33+s19+$0x0], $0xffff  }
0x249: {  	v37 =	vadd.f32 $1.258291200e+07, v32;
	vm0 =	vlt.s32 v3, $0x80;
	v34 =	vor.u32 v4, v40;
	v31 =	vld.idx.msk [tilespmem:v63+s18+$0x0], $0xffff  }
0x24a: {  	vm1 =	vlt.f32 v43, $1.279999970e-03;
	v55 =	vsub.f32 v45, v32;
	v28 =	vadd.f32 v28, v24;
	v53 =	vld.idx.msk [tilespmem:v41+s19+$0x0], $0xffff;
	v24 =	vpop (erf)  }
0x24b: {  	v40 =	vnsel vm0, $0x80, v3;
	v3 =	vsel vm1, $0x43000000, v43;
	v52 =	vmul.f32 v24, v39  }
0x24c: {  	v42 =	vor.u32 v4, v42;
	v30 =	vadd.s32 $0x4, v30;
	v24 =	vld.idx.msk [tilespmem:v51+s18+$0x0], $0xffff;
	(erf) = vrcp.f32 v3  }
0x24d: {  	v57 =	vsub.f32 v21, v49;
	v3 =	vmul.f32 v56, v18;
	v18 =	vmovc v45;
	v39 =	vsub.f32 v52, v56  }
.Ltmp6:
0x24e: {  	v44 =	vor.u32 v0, v1;
	v41 =	vsub.f32 v26, v50;
	v45 =	vmul.f32 v52, v20;
	v1 =	vpop (erf);
	v21 =	vld.idx.msk [tilespmem:v14+s18+$0x0], $0xffff;
	(pc) =	sbr.rel @p0 .LBB2_16-.Ltmp6, $4  }
0x24f: {  	v20 =	vmul.f32 v28, v10;
	v28 =	vadd.f32 v46, v28;
	v58 =	vsub.f32 v19, v3;
	v19 =	vmovc v59  }
0x250: {  	v43 =	vsub.f32 v31, v26;
	v14 =	vmovc v62;
	v41 =	vmul.f32 v1, v41;
	v49 =	vsub.f32 v47, v45  }
0x251: {  	vm0 =	vlt.f32 v55, $1.279999970e-03;
	v50 =	vadd.f32 v53, v61;
	v59 =	vadd.f32 $1.258291200e+07, v20  }
0x252: {  	v47 =	vsub.f32 v58, v57;
	v54 =	vmul.f32 v41, v48;
	v45 =	vsub.f32 v24, v31;
	v48 =	vld.idx.msk [tilespmem:v63+s19+$0x0], $0xffff  }
0x253: {  	v3 =	vadd.f32 $1.258291200e+07, v18;
	v29 =	vsub.f32 v56, v29  }
0x254: {  	v1 =	vmul.f32 v50, v11;
	v23 =	vsub.f32 v21, v23;
	v25 =	vsub.f32 v57, v25  }
0x255: {  	v46 =	vmul.f32 v28, v10;
	v55 =	vsel vm0, $0x43000000, v55;
	v35 =	vsub.f32 v41, v35  }
0x256: {  	v40 =	vshll.u32 v40, $0x5;
	v37 =	vadd.f32 $-1.258291200e+07, v37;
	v17 =	vsub.f32 v17, v54  }
0x257: {  	v40 =	vor.u32 v0, v40;
	v53 =	vsub.f32 v1, v22;
	v56 =	vadd.f32 $1.258291200e+07, v1  }
0x258: {  	v62 =	vpop (erf);
	(erf) = vrcp.f32 v55;
	v55 =	vsub.f32 v46, v20;
	v60 =	vadd.f32 v48, v50  }
0x259: {  	v3 =	vadd.f32 $-1.258291200e+07, v3;
	v57 =	vmul.f32 v62, v23;
	v23 =	vadd.f32 $-1.258291200e+07, v59  }
0x25a: {  	v59 =	vsub.f32 v19, v21;
	v48 =	vsub.f32 v49, v58;
	v58 =	vmul.f32 v60, v11  }
0x25b: {  	v51 =	vld.idx.msk [tilespmem:v51+s19+$0x0], $0xffff;
	v37 =	vtrunc.f32 v37;
	v50 =	vadd.f32 $-1.258291200e+07, v56;
	v56 =	vsub.f32 v20, v18  }
0x25c: {  	v38 =	vsub.f32 v17, v38;
	vm9 =	vlt.f32 v53, $1.279999970e-03;
	v62 =	vsub.f32 v58, v1  }
0x25d: {  	v3 =	vtrunc.f32 v3;
	v53 =	vsel vm9, $0x43000000, v53;
	vm10 =	vlt.f32 v56, $1.279999970e-03  }
0x25e: {  	v61 =	vtrunc.f32 v23;
	v63 =	vsel vm10, $0x43000000, v56;
	vm11 =	vlt.f32 v62, $1.279999970e-03  }
0x25f: {  	v12 =	vmul.f32 v57, v12;
	(erf) = vrcp.f32 v63;
	v62 =	vsel vm11, $0x43000000, v62  }
0x260: {  	v3 =	vcvt.f32.s32 v3;
	v60 =	vadd.f32 v51, v60;
	(erf) = vrcp.f32 v62  }
0x261: {  	vm1 =	vlt.f32 v55, $1.279999970e-03;
	v23 =	vtrunc.f32 v50;
	(erf) = vrcp.f32 v53  }
0x262: {  	v50 =	vsub.f32 v57, v52;
	v52 =	vsel vm1, $0x43000000, v55;
	v11 =	vmul.f32 v60, v11  }
0x263: {  	v54 =	vcvt.f32.s32 v61;
	v56 =	vcvt.f32.s32 v23;
	v36 =	vsub.f32 v36, v12  }
0x264: {  	v55 =	vld.idx.msk [tilespmem:v33+s18+$0x0], $0xffff;
	vm14 =	vlt.s32 v3, $0x80;
	v63 =	vadd.f32 $1.258291200e+07, v46;
	v60 =	vsub.f32 v11, v58  }
0x265: {  	v23 =	vld.idx.msk [tilespmem:v30+s18+$0x0], $0xffff;
	vm15 =	vlt.s32 v54, $0x80;
	v3 =	vnsel vm14, $0x80, v3;
	vm12 =	vlt.s32 v56, $0x80  }
0x266: {  	v30 =	vld.idx.msk [tilespmem:v16+s18+$0x0], $0xffff;
	v54 =	vnsel vm15, $0x80, v54;
	v62 =	vadd.f32 $1.258291200e+07, v58;
	vm13 =	vlt.f32 v60, $1.279999970e-03  }
0x267: {  	v3 =	vshll.u32 v3, $0x5;
	v51 =	vnsel vm12, $0x80, v56;
	v61 =	vpop (erf);
	v33 =	vsel vm13, $0x43000000, v60  }
0x268: {  	v56 =	vmul.f32 v61, v59;
	v53 =	vadd.f32 $-1.258291200e+07, v62;
	v59 =	vpop (erf);
	(erf) = vrcp.f32 v33  }
0x269: {  	v54 =	vshll.u32 v54, $0x5;
	v3 =	vor.u32 v4, v3;
	v11 =	vadd.f32 $1.258291200e+07, v11;
	v60 =	vpop (erf)  }
0x26a: {  	v51 =	vshll.u32 v51, $0x5;
	v12 =	vsub.f32 v23, v24;
	v53 =	vtrunc.f32 v53;
	v62 =	vpop (erf)  }
0x26b: {  	[tilespmem:v44+s21+$0x0] =	vst.idx.add.f32.msk $0xffff, v38;
	v61 =	vsub.f32 v30, v55;
	v53 =	vcvt.f32.s32 v53;
	v43 =	vmul.f32 v62, v43  }
0x26c: {  	[tilespmem:v44+s22+$0x0] =	vst.idx.add.f32.msk $0xffff, v35;
	v33 =	vsub.f32 v36, v49;
	v49 =	vadd.f32 $-1.258291200e+07, v63;
	v44 =	vmul.f32 v60, v45  }
0x26d: {  	v11 =	vadd.f32 $-1.258291200e+07, v11;
	v32 =	vmul.f32 v56, v32;
	v22 =	vmul.f32 v43, v22  }
0x26e: {  	vm4 =	vlt.s32 v53, $0x80;
	v35 =	vtrunc.f32 v49;
	v1 =	vmul.f32 v44, v1  }
0x26f: {  	v49 =	vor.u32 v0, v51;
	v62 =	vnsel vm4, $0x80, v53;
	v26 =	vsub.f32 v26, v22  }
0x270: {  	v11 =	vtrunc.f32 v11;
	v38 =	vshll.u32 v62, $0x5;
	v62 =	vld.idx.msk [tilespmem:v16+s19+$0x0], $0xffff;
	v1 =	vsub.f32 v31, v1  }
0x271: {  	v11 =	vcvt.f32.s32 v11;
	v35 =	vcvt.f32.s32 v35;
	v63 =	vpop (erf);
	v17 =	vsub.f32 v26, v17  }
0x272: {  	v60 =	vcvt.f32.s32 v37;
	v12 =	vmul.f32 v63, v12;
	v26 =	vsub.f32 v1, v26  }
0x273: {  	v37 =	vadd.s32 $0x2, v16;
	v22 =	vsub.f32 v56, v57;
	v57 =	vsub.f32 v43, v41;
	[tilespmem:v40+s21+$0x0] =	vst.idx.add.f32.msk $0xffff, v17  }
0x274: {  	v38 =	vor.u32 v0, v38;
	(erf) = vrcp.f32 v52;
	v17 =	vmul.f32 v12, v58;
	[tilespmem:v49+s21+$0x0] =	vst.idx.add.f32.msk $0xffff, v26  }
0x275: {  	vm14 =	vlt.s32 v11, $0x80;
	v63 =	vsub.f32 v44, v43;
	v62 =	vadd.f32 v62, v28;
	[tilespmem:v40+s22+$0x0] =	vst.idx.add.f32.msk $0xffff, v57  }
0x276: {  	vm5 =	vlt.s32 v35, $0x80;
	v53 =	vsub.f32 v55, v19;
	v40 =	vld.idx.msk [tilespmem:v14+s19+$0x0], $0xffff;
	v17 =	vsub.f32 v24, v17  }
0x277: {  	vm6 =	vlt.s32 v60, $0x80;
	v43 =	vadd.s32 $0x3, v16;
	[tilespmem:v49+s22+$0x0] =	vst.idx.add.f32.msk $0xffff, v63;
	v24 =	vmul.f32 v62, v10  }
0x278: {  	v35 =	vnsel vm5, $0x80, v35;
	v45 =	vnsel vm6, $0x80, v60;
	v52 =	vld.idx.msk [tilespmem:v37+s19+$0x0], $0xffff;
	v1 =	vsub.f32 v17, v1  }
0x279: {  	v60 =	vmul.f32 v59, v53;
	v51 =	vsub.f32 v12, v44;
	v49 =	vsub.f32 v24, v46  }
0x27a: {  	v21 =	vsub.f32 v21, v32;
	v11 =	vnsel vm14, $0x80, v11;
	v35 =	vshll.u32 v35, $0x5;
	[tilespmem:v38+s21+$0x0] =	vst.idx.add.f32.msk $0xffff, v1  }
0x27b: {  	v18 =	vmul.f32 v60, v18;
	vm7 =	vlt.f32 v49, $1.279999970e-03;
	v28 =	vadd.f32 v40, v62;
	[tilespmem:v38+s22+$0x0] =	vst.idx.add.f32.msk $0xffff, v51  }
0x27c: {  	v26 =	vshll.u32 v45, $0x5;
	v45 =	vadd.f32 $1.258291200e+07, v24;
	v31 =	vsel vm7, $0x43000000, v49;
	v57 =	vld.idx.msk [tilespmem:v43+s19+$0x0], $0xffff  }
0x27d: {  	v14 =	vld.idx.msk [tilespmem:v14+s18+$0x0], $0xffff;
	v58 =	vpop (erf);
	(erf) = vrcp.f32 v31;
	v38 =	vmul.f32 v28, v10;
	v28 =	vadd.f32 v52, v28  }
0x27e: {  	v16 =	vadd.s32 $0x4, v16;
	v18 =	vsub.f32 v19, v18;
	v41 =	vmul.f32 v58, v61  }
0x27f: {  	v26 =	vor.u32 v4, v26;
	v53 =	vadd.f32 $-1.258291200e+07, v45;
	v44 =	vmul.f32 v28, v10  }
0x280: {  	v1 =	vor.u32 v4, v35;
	v32 =	vsub.f32 v41, v60;
	v62 =	vsub.f32 v38, v24  }
0x281: {  	v35 =	vor.u32 v4, v54;
	v28 =	vadd.f32 v57, v28;
	v57 =	vsub.f32 v44, v38  }
0x282: {  	v59 =	vsub.f32 v14, v30;
	v31 =	vsub.f32 v60, v56;
	vm8 =	vlt.f32 v62, $1.279999970e-03  }
0x283: {  	[tilespmem:v42+s21+$0x0] =	vst.idx.add.f32.msk $0xffff, v47;
	v19 =	vsel vm8, $0x43000000, v62;
	v10 =	vmul.f32 v28, v10;
	vm9 =	vlt.f32 v57, $1.279999970e-03  }
0x284: {  	[tilespmem:v42+s22+$0x0] =	vst.idx.add.f32.msk $0xffff, v29;
	v58 =	vadd.f32 $1.258291200e+07, v38;
	(erf) = vrcp.f32 v19;
	v28 =	vsel vm9, $0x43000000, v57  }
0x285: {  	v37 =	vld.idx.msk [tilespmem:v37+s18+$0x0], $0xffff;
	v63 =	vadd.f32 $1.258291200e+07, v44;
	v61 =	vsub.f32 v10, v44;
	(erf) = vrcp.f32 v28  }
0x286: {  	[tilespmem:v27+s21+$0x0] =	vst.idx.add.f32.msk $0xffff, v25;
	v20 =	vmul.f32 v41, v20;
	v49 =	vadd.f32 $-1.258291200e+07, v58;
	v19 =	vsub.f32 v18, v21;
	v60 =	vpop (erf)  }
0x287: {  	[tilespmem:v27+s22+$0x0] =	vst.idx.add.f32.msk $0xffff, v13;
	v21 =	vsub.f32 v21, v36;
	v36 =	vmul.f32 v60, v59;
	vm10 =	vlt.f32 v61, $1.279999970e-03  }
0x288: {  	v20 =	vsub.f32 v55, v20;
	v52 =	vtrunc.f32 v49;
	v28 =	vld.idx.msk [tilespmem:v43+s18+$0x0], $0xffff;
	v62 =	vsel vm10, $0x43000000, v61  }
0x289: {  	[tilespmem:v34+s21+$0x0] =	vst.idx.add.f32.msk $0xffff, v48;
	v40 =	vadd.f32 $-1.258291200e+07, v63;
	v51 =	vmul.f32 v36, v46;
	(erf) = vrcp.f32 v62  }
0x28a: {  	[tilespmem:v34+s22+$0x0] =	vst.idx.add.f32.msk $0xffff, v39;
	v18 =	vsub.f32 v20, v18;
	v63 =	vsub.f32 v37, v14;
	v42 =	vcvt.f32.s32 v52  }
0x28b: {  	v16 =	vld.idx.msk [tilespmem:v16+s18+$0x0], $0xffff;
	v57 =	vtrunc.f32 v53;
	v40 =	vtrunc.f32 v40;
	v29 =	vsub.f32 v30, v51  }
0x28c: {  	[tilespmem:v15+s21+$0x0] =	vst.idx.add.f32.msk $0xffff, v33;
	v10 =	vadd.f32 $1.258291200e+07, v10;
	v40 =	vcvt.f32.s32 v40;
	vm11 =	vlt.s32 v42, $0x80  }
0x28d: {  	[tilespmem:v15+s22+$0x0] =	vst.idx.add.f32.msk $0xffff, v50;
	v59 =	vcvt.f32.s32 v57;
	v55 =	vpop (erf);
	v13 =	vsub.f32 v29, v20;
	v20 =	vsub.f32 v28, v37  }
0x28e: {  	[tilespmem:v3+s21+$0x0] =	vst.idx.add.f32.msk $0xffff, v19;
	v60 =	vnsel vm11, $0x80, v42;
	v10 =	vadd.f32 $-1.258291200e+07, v10;
	vm12 =	vlt.s32 v40, $0x80;
	v15 =	vpop (erf)  }
0x28f: {  	[tilespmem:v26+s21+$0x0] =	vst.idx.add.f32.msk $0xffff, v21;
	vm13 =	vlt.s32 v59, $0x80;
	v56 =	vmul.f32 v55, v63;
	v15 =	vmul.f32 v15, v20  }
0x290: {  	[tilespmem:v35+s21+$0x0] =	vst.idx.add.f32.msk $0xffff, v18;
	v27 =	vshll.u32 v60, $0x5;
	v39 =	vnsel vm13, $0x80, v59;
	v58 =	vsub.f32 v16, v28  }
0x291: {  	[tilespmem:v3+s22+$0x0] =	vst.idx.add.f32.msk $0xffff, v31;
	v62 =	vshll.u32 v39, $0x5;
	v19 =	vmul.f32 v56, v24;
	v63 =	vmul.f32 v15, v38  }
0x292: {  	[tilespmem:v35+s22+$0x0] =	vst.idx.add.f32.msk $0xffff, v32;
	v61 =	vnsel vm12, $0x80, v40;
	v18 =	vor.u32 v4, v27;
	v3 =	vor.u32 v4, v62;
	v20 =	vpop (erf)  }
0x293: {  	v14 =	vsub.f32 v14, v19;
	v20 =	vmul.f32 v20, v58;
	v19 =	vsub.f32 v37, v63  }
0x294: {  	[tilespmem:v26+s22+$0x0] =	vst.idx.add.f32.msk $0xffff, v22;
	v54 =	vsub.f32 v36, v41;
	v10 =	vtrunc.f32 v10;
	v21 =	vshll.u32 v61, $0x5  }
0x295: {  	v10 =	vcvt.f32.s32 v10;
	[tilespmem:v1+s21+$0x0] =	vst.idx.add.f32.msk $0xffff, v13;
	v22 =	vmul.f32 v20, v44;
	v13 =	vsub.f32 v19, v14  }
0x296: {  	v11 =	vshll.u32 v11, $0x5;
	v21 =	vor.u32 v4, v21;
	[tilespmem:v1+s22+$0x0] =	vst.idx.add.f32.msk $0xffff, v54;
	v14 =	vsub.f32 v14, v29  }
0x297: {  	vm15 =	vlt.s32 v10, $0x80;
	v1 =	vsub.f32 v28, v22;
	v22 =	vsub.f32 v15, v56;
	[tilespmem:v18+s21+$0x0] =	vst.idx.add.f32.msk $0xffff, v13  }
0x298: {  	v11 =	vor.u32 v0, v11;
	v10 =	vnsel vm15, $0x80, v10;
	[tilespmem:v3+s21+$0x0] =	vst.idx.add.f32.msk $0xffff, v14;
	v14 =	vsub.f32 v56, v36  }
0x299: {  	v10 =	vshll.u32 v10, $0x5;
	[tilespmem:v18+s22+$0x0] =	vst.idx.add.f32.msk $0xffff, v22;
	v13 =	vsub.f32 v1, v19  }
0x29a: {  	v10 =	vor.u32 v4, v10;
	v15 =	vsub.f32 v20, v15;
	[tilespmem:v3+s22+$0x0] =	vst.idx.add.f32.msk $0xffff, v14  }
0x29b: {  	[tilespmem:v21+s21+$0x0] =	vst.idx.add.f32.msk $0xffff, v13;
	v13 =	vsub.f32 v23, v17  }
0x29c: {  	v3 =	vsub.f32 $0.0e+00, v12;
	[tilespmem:v21+s22+$0x0] =	vst.idx.add.f32.msk $0xffff, v15  }
0x29d: {  	v1 =	vsub.f32 v16, v1;
	[tilespmem:v11+s21+$0x0] =	vst.idx.add.f32.msk $0xffff, v13  }
0x29e: {  	[tilespmem:v11+s22+$0x0] =	vst.idx.add.f32.msk $0xffff, v3;
	v3 =	vsub.f32 $0.0e+00, v20  }
0x29f: {  	[tilespmem:v10+s21+$0x0] =	vst.idx.add.f32.msk $0xffff, v1  }
0x2a0: {  	s0 =	simm.s32 $0x193C0;
	[tilespmem:v10+s22+$0x0] =	vst.idx.add.f32.msk $0xffff, v3  }
0x2a1: {  	v1 =	vld [tilespmem:s0+$0xFFFFFFC0]  }
0x2a2: {  	s1 =	simm.s32 $0x18340  }
0x2a3: {  	v3 =	vld [tilespmem:s1+$0xFFFFFFC0]  }
0x2a4: {  	v10 =	vld [tilespmem:s0+$0xFFFFFFE0]  }
0x2a5: {  	v15 =	vimm.f32 $0.0e+00;
	v12 =	vld [tilespmem:s0+$0x0]  }
0x2a6: {  	v13 =	vld [tilespmem:s1+$0xFFFFFFE0];
	v1 =	vadd.f32 v1, v15  }
0x2a7: {  	v17 =	vimm.f32 $5.000000000e-01;
	v14 =	vld [tilespmem:s0+$0x20]  }
0x2a8: {  	v11 =	vadd.f32 $1.000000000e+00, v17;
	v18 =	vld [tilespmem:s1+$0x0];
	[tilespmem:s1+$0xFFFFFFC0] =	vst v2;
	v3 =	vadd.f32 v3, v15;
	v16 =	vmul.f32 v1, v17  }
0x2a9: {  	[tilespmem:s1+$0xFFFFFFE0] =	vst v2;
	v1 =	vadd.f32 v10, v1  }
0x2aa: {  	v19 =	vld [tilespmem:s1+$0x20];
	[tilespmem:s1+$0x0] =	vst v2;
	v10 =	vadd.f32 $1.000000000e+00, v11;
	v16 =	vadd.f32 v16, v3  }
0x2ab: {  	[tilespmem:s0+$0xFFFFFFC0] =	vst v2;
	v20 =	vadd.f32 v12, v1;
	v3 =	vadd.f32 v13, v3  }
0x2ac: {  	v1 =	vmul.f32 v1, v11;
	v12 =	vadd.f32 $1.000000000e+00, v10;
	[tilespmem:v6+s16+$0x0] =	vst.idx.msk $0xffff, v16  }
0x2ad: {  	[tilespmem:s1+$0x20] =	vst v2;
	v13 =	vadd.f32 v14, v20;
	v18 =	vadd.f32 v18, v3;
	v20 =	vmul.f32 v20, v10;
	v16 =	vld [tilespmem:s0+$0xFFFFFFD0]  }
0x2ae: {  	[tilespmem:s0+$0xFFFFFFE0] =	vst v2;
	v1 =	vadd.f32 v1, v3  }
0x2af: {  	[tilespmem:s0+$0x0] =	vst v2;
	v3 =	vmul.f32 v13, v12;
	v14 =	vadd.f32 v19, v18;
	v19 =	vld [tilespmem:s1+$0xFFFFFFD0];
	v20 =	vadd.f32 v20, v18  }
0x2b0: {  	[tilespmem:v8+s16+$0x0] =	vst.idx.msk $0xffff, v1  }
0x2b1: {  	v1 =	vadd.f32 v3, v14;
	v3 =	vld [tilespmem:s0+$0xFFFFFFF0];
	[tilespmem:v7+s16+$0x0] =	vst.idx.msk $0xffff, v20  }
0x2b2: {  	[tilespmem:s0+$0x20] =	vst v2;
	v20 =	vld [tilespmem:s0+$0x10];
	v21 =	vadd.f32 v16, v15  }
0x2b3: {  	v16 =	vld [tilespmem:s1+$0xFFFFFFF0];
	[tilespmem:v9+s16+$0x0] =	vst.idx.msk $0xffff, v1  }
0x2b4: {  	v8 =	vld [tilespmem:s0+$0x30];
	v18 =	vadd.f32 v19, v15;
	v1 =	vmul.f32 v21, v17  }
0x2b5: {  	[tilespmem:s1+$0xFFFFFFD0] =	vst v2;
	v9 =	vadd.f32 $1.000000000e+00, v12;
	v15 =	vld [tilespmem:s1+$0x30]  }
0x2b6: {  	s6 =	simm.s32 $0x0;
	s7 =	simm.s32 $0x19440;
	v19 =	vld [tilespmem:s1+$0x10];
	[tilespmem:s1+$0x30] =	vst v2;
	v17 =	vadd.f32 v3, v21;
	v7 =	vadd.f32 v1, v18  }
.LBB2_18:
0x2b7: {  	v1 =	vld [tilespmem:s7+$0xFFFFFFC0];
	s6 =	sadd.s32 $0x4, s6;
	[tilespmem:s1+$0x10] =	vst v2;
	v3 =	vmov v9  }
0x2b8: {  	v22 =	vmul.f32 v17, v11;
	v21 =	vld [tilespmem:s7+$0xFFFFFFE0];
	p0 =	slt.u32 s6, $0x7C;
	[tilespmem:s1+$0xFFFFFFF0] =	vst v2;
	s1 =	sadd.s32 $0x80, s1  }
0x2b9: {  	v23 =	vld [tilespmem:s1+$0xFFFFFFC0];
	[tilespmem:s0+$0x30] =	vst v2  }
0x2ba: {  	v16 =	vadd.f32 v16, v18;
	[tilespmem:s1+$0xFFFFFFC0] =	vst v2  }
0x2bb: {  	[tilespmem:s7+$0xFFFFFFC0] =	vst v2;
	v18 =	vld [tilespmem:s7+$0x0];
	v17 =	vadd.f32 v20, v17  }
0x2bc: {  	v6 =	vadd.s32 $0x4, v6;
	v19 =	vadd.f32 v19, v16;
	v1 =	vadd.f32 v1, v13;
	v13 =	vld [tilespmem:s1+$0xFFFFFFE0];
	[tilespmem:s0+$0xFFFFFFF0] =	vst v2  }
0x2bd: {  	v11 =	vadd.f32 $1.000000000e+00, v9;
	v22 =	vadd.f32 v22, v16;
	v20 =	vld [tilespmem:s7+$0x20];
	[tilespmem:s0+$0x10] =	vst v2;
	v16 =	vmul.f32 v17, v10  }
0x2be: {  	v14 =	vadd.f32 v23, v14;
	v9 =	vmul.f32 v1, v9;
	v1 =	vadd.f32 v21, v1;
	[tilespmem:s0+$0xFFFFFFD0] =	vst v2;
	s0 =	smov.u32 s7  }
0x2bf: {  	v15 =	vadd.f32 v15, v19;
	v10 =	vadd.f32 $1.000000000e+00, v11;
	v23 =	vadd.s32 $0x3, v5;
	[tilespmem:s1+$0xFFFFFFE0] =	vst v2;
	v21 =	vld [tilespmem:s1+$0x0]  }
0x2c0: {  	v9 =	vadd.f32 v9, v14;
	v24 =	vmul.f32 v1, v11;
	v1 =	vadd.f32 v18, v1;
	[tilespmem:s1+$0x0] =	vst v2  }
0x2c1: {  	v25 =	vadd.f32 $1.000000000e+00, v10;
	v18 =	vadd.s32 $0x1, v6;
	v14 =	vadd.f32 v13, v14;
	[tilespmem:s7+$0x0] =	vst v2;
	v26 =	vld [tilespmem:s1+$0x20]  }
0x2c2: {  	[tilespmem:s7+$0xFFFFFFE0] =	vst v2;
	v27 =	vmul.f32 v1, v10;
	v13 =	vadd.f32 v20, v1;
	v1 =	vadd.f32 v8, v17  }
0x2c3: {  	v17 =	vadd.s32 $0x2, v6;
	[tilespmem:v6+s16+$0x0] =	vst.idx.msk $0xffff, v9;
	v8 =	vadd.f32 v24, v14;
	v9 =	vadd.f32 $1.000000000e+00, v25  }
0x2c4: {  	v20 =	vld [tilespmem:s1+$0xFFFFFFD0];
	v21 =	vadd.f32 v21, v14;
	[tilespmem:s1+$0x20] =	vst v2;
	v24 =	vmul.f32 v13, v25;
	v28 =	vmul.f32 v1, v12  }
0x2c5: {  	v30 =	vadd.s32 $0x3, v6;
	v12 =	vmov v25;
	v29 =	vld [tilespmem:s7+$0xFFFFFFD0];
	[tilespmem:v5+s16+$0x0] =	vst.idx.msk $0xffff, v7;
	v7 =	vadd.f32 v16, v19  }
0x2c6: {  	v19 =	vadd.s32 $0x2, v5;
	[tilespmem:s1+$0xFFFFFFD0] =	vst v2;
	v14 =	vadd.f32 v26, v21;
	v16 =	vadd.f32 v28, v15  }
0x2c7: {  	[tilespmem:v18+s16+$0x0] =	vst.idx.msk $0xffff, v8  }
0x2c8: {  	v25 =	vld [tilespmem:s7+$0xFFFFFFF0];
	v8 =	vadd.f32 v24, v14;
	v24 =	vadd.s32 $0x1, v5;
	[tilespmem:v23+s16+$0x0] =	vst.idx.msk $0xffff, v16  }
0x2c9: {  	[tilespmem:s7+$0x20] =	vst v2  }
.Ltmp7:
0x2ca: {  	v21 =	vadd.f32 v27, v21;
	v1 =	vadd.f32 v29, v1;
	v16 =	vld [tilespmem:s1+$0xFFFFFFF0];
	[tilespmem:v30+s16+$0x0] =	vst.idx.msk $0xffff, v8;
	(pc) =	sbr.rel @p0 .LBB2_18-.Ltmp7, $4  }
0x2cb: {  	v18 =	vadd.f32 v20, v15;
	v8 =	vld [tilespmem:s7+$0x30];
	[tilespmem:v19+s16+$0x0] =	vst.idx.msk $0xffff, v7  }
0x2cc: {  	v5 =	vadd.s32 $0x4, v5;
	v3 =	vmul.f32 v1, v3;
	[tilespmem:v17+s16+$0x0] =	vst.idx.msk $0xffff, v21;
	v15 =	vld [tilespmem:s1+$0x30]  }
0x2cd: {  	v17 =	vadd.f32 v25, v1;
	v19 =	vld [tilespmem:s1+$0x10];
	[tilespmem:v24+s16+$0x0] =	vst.idx.msk $0xffff, v22  }
0x2ce: {  	s7 =	sadd.s32 $0x80, s7;
	v7 =	vadd.f32 v3, v18;
	v20 =	vld [tilespmem:s0+$0x10];
	[tilespmem:s1+$0x30] =	vst v2  }
0x2cf: {  	_ =	sdelay $0x2  }
0x2d0: {  	[tilespmem:s1+$0x10] =	vst v2  }
0x2d1: {  	v1 =	vadd.f32 v16, v18;
	[tilespmem:s1+$0xFFFFFFF0] =	vst v2;
	v3 =	vadd.f32 v20, v17  }
0x2d2: {  	[tilespmem:s0+$0x30] =	vst v2;
	v62 =	vadd.s32 $0x2, v5;
	v63 =	vadd.s32 $0x1, v5  }
0x2d3: {  	v11 =	vmul.f32 v17, v11;
	[tilespmem:s0+$0xFFFFFFD0] =	vst v2;
	s30 =	sadd.s32 $0x1, s30;
	v6 =	vadd.f32 v19, v1;
	v8 =	vadd.f32 v8, v3  }
0x2d4: {  	v9 =	vadd.s32 $0x3, v5;
	[tilespmem:s0+$0xFFFFFFF0] =	vst v2;
	p0 =	sne.s32 s30, $0x4;
	v3 =	vmul.f32 v3, v10  }
.Ltmp8:
0x2d5: {  	[tilespmem:s0+$0x10] =	vst v2;
	v1 =	vadd.f32 v11, v1;
	v13 =	vadd.f32 v15, v6;
	v8 =	vmul.f32 v8, v12;
	(pc) =	sbr.rel @p0 .LBB2_13-.Ltmp8, $4  }
0x2d6: {  	[tilespmem:v5+s16+$0x0] =	vst.idx.msk $0xffff, v7;
	v3 =	vadd.f32 v3, v6  }
0x2d7: {  	[tilespmem:v63+s16+$0x0] =	vst.idx.msk $0xffff, v1;
	v8 =	vadd.f32 v8, v13  }
0x2d8: {  	[tilespmem:v62+s16+$0x0] =	vst.idx.msk $0xffff, v3  }
0x2d9: {  	[tilespmem:v9+s16+$0x0] =	vst.idx.msk $0xffff, v8  }
0x2da: {  	s28 =	sadd.s32 $0x1, s28  }
0x2db: {  	p0 =	sne.s32 s28, $0x8  }
.Ltmp9:
0x2dc: {  	_ = 	snop;
	(pc) =	sbr.rel @p0 .LBB2_4-.Ltmp9, $3  }
0x2dd: {  	_ =	sdelay $0x1  }
0x2de: {  	s0 =	sadd.s32 s5, s29  }
0x2df: {  	[hbm4b:s0+s2] =	stream.linear.scatter [tilespmem:s16], [sflag:$0x4], $0x4080, $0x38;
	[tilespmem:$0x1A400] =	vst v63  }
0x2e0: {  	_ =	swait.ge [sflag:s17], $0x4080  }
0x2e1: {  	[sflag:s17] =	ssyncset.done $0x0  }
0x2e2: {  	[sflag:s17] =	ssyncadd.s32 $0xFFFFBF80  }
0x2e3: {  	_ =	swait.ge [sflag:s17], $0x4080  }
0x2e4: {  	[sflag:s17] =	ssyncset.done $0x0  }
0x2e5: {  	s25 =	sadd.s32 $0x1, s25;
	[sflag:s17] =	ssyncadd.s32 $0xFFFFBF80  }
0x2e6: {  	p0 =	sne.s32 s25, s13;
	_ =	swait.ge [sflag:s20], $0x4080  }
.Ltmp10:
0x2e7: {  	[sflag:s20] =	ssyncset.done $0x0;
	(pc) =	sbr.rel @p0 .LBB2_1-.Ltmp10, $4  }
0x2e8: {  	[sflag:s20] =	ssyncadd.s32 $0xFFFFBF80  }
0x2e9: {  	_ =	swait.ge [sflag:s24], $0x4080  }
0x2ea: {  	[sflag:s24] =	ssyncset.done $0x0  }
0x2eb: {  	[sflag:s24] =	ssyncadd.s32 $0xFFFFBF80  }
0x2ec: {  	_ =	sfence.sel $0x180000  }
0x2ed: {  	[bflag:$0x0] =	sbarrier.arrive $0xFFFF  }
0x2ee: {  	_ =	strace $0x90000047  }
0x2ef: {  	s0 =	stileid.u32;
	[bflag:$0x2] =	sbarrier.arrive $0xFFFF  }
0x2f0: {  	p0 =	sne.s32 s0, $0x0;
	s0 =	rddreg [dreg:$0x1]  }
0x2f1: {  	s0 =	sadd.s32 @!p0 $0x100000, s0  }
0x2f2: {  	[sflag:s0] =	ssyncadd.tile.s32 @!p0 $0x1;
	_ =	shalt  }
.Lfunc_end2:
_tile_overlayer_lowered:
.L_overlay_start_2:
0x2f3: {  	(tag) =	ssettag $0x2  }
0x2f4: {  	s0 =	rddreg [dreg:$0x0];
	s2 =	stileid.u32  }
0x2f5: {  	s1 =	rddreg [dreg:$0x1];
	p0 =	sne.s32 s2, $0x0  }
0x2f6: {  	s3 =	rddreg [dreg:$0x2];
	[bflag:$0x3] =	sbarrier.arrive $0xFFFF;
	s2 =	simm.s32 @!p0 $0x1C05  }
0x2f7: {  	[timem:s3], [sflag:s2] =	dma.local @!p0 [hbm:s0], s1  }
0x2f8: {  	s0 =	simm.s32 @!p0 $0x5  }
0x2f9: {  	_ =	swait.ge @!p0 [sflag:s0], s1  }
0x2fa: {  	s1 =	ssub.s32 @!p0 $0x0, s1;
	[sflag:s0] =	ssyncset.done @!p0 $0x0  }
0x2fb: {  	[sflag:s0] =	ssyncadd.s32 @!p0 s1  }
0x2fc: {  	[bflag:$0x3] =	sbarrier.arrive $0xFFFF  }
0x2fd: {  	_ =	shalt  }

</sc_bundles>
